<compile_context>
chip_gen: v7x
topology: tpu7x:2x2x1
jax: 0.10.2.dev20260603
libtpu: 0.0.44.dev20260713+nightly
codegen_flags: <defaults>
</compile_context>

<pallas_src>
import functools

import jax
import jax.numpy as jnp
from jax import lax
from jax.experimental import pallas as pl
from jax.experimental.pallas import tpu as pltpu
from jax.experimental.pallas import tpu_sc as plsc

N_CLASSES = 100000
EMBED_DIM = 64
BATCH = 16384

_info = plsc.get_sparse_core_info()
_NC, _NS = _info.num_cores, _info.num_subcores
_NW = _NC * _NS
_B_PER_W = BATCH // _NW
_CHUNK = 128
_NCHUNK = _B_PER_W // _CHUNK


@functools.partial(
    pl.kernel,
    mesh=plsc.VectorSubcoreMesh(core_axis_name="c", subcore_axis_name="s"),
    out_type=jax.ShapeDtypeStruct((BATCH, EMBED_DIM), jnp.float32),
    scratch_types=[
        pltpu.VMEM((_B_PER_W,), jnp.int32),
        [pltpu.VMEM((_CHUNK, EMBED_DIM), jnp.float32) for _ in range(_NCHUNK)],
        [pltpu.SemaphoreType.DMA for _ in range(_NCHUNK)],
        pltpu.SemaphoreType.DMA,
    ],
    compiler_params=pltpu.CompilerParams(use_tc_tiling_on_sc=True),
)
def _gather_kernel(idx_hbm, table_hbm, out_hbm, idx_v, rows, gsems, ssem):
    wid = lax.axis_index("s") * _NC + lax.axis_index("c")
    base = wid * _B_PER_W
    pltpu.sync_copy(idx_hbm.at[pl.ds(base, _B_PER_W)], idx_v)

    def fire_chunk(c, buf, sem):
        def body(j, _):
            v = idx_v[pl.ds(c * _CHUNK + j * 16, 16)]
            for k in range(16):
                pltpu.async_copy(
                    table_hbm.at[pl.ds(v[k], 1)],
                    buf.at[pl.ds(j * 16 + k, 1)],
                    sem,
                )
            return 0

        lax.fori_loop(0, _CHUNK // 16, body, 0)

    def drain_chunk(buf, sem):
        pltpu.make_async_copy(
            table_hbm.at[pl.ds(0, _CHUNK)], buf, sem
        ).wait()

    for c in range(_NCHUNK):
        fire_chunk(c, rows[c], gsems[c])
    scatters = []
    for c in range(_NCHUNK):
        drain_chunk(rows[c], gsems[c])
        scatters.append(
            pltpu.async_copy(
                rows[c], out_hbm.at[pl.ds(base + c * _CHUNK, _CHUNK)], ssem
            )
        )
    for s in scatters:
        s.wait()


def kernel(x, table):
    return _gather_kernel(x.astype(jnp.int32), table)

# --- scband reference (transcript-rebuilt; emitter-appended) ---
"""Pipeline reference for scband-class-embedder-14491219657075 (READ-ONLY COPY).

The authoritative reference and input builder live on the scoring server;
editing this copy changes nothing except your own understanding.
"""

import jax, jax.numpy as jnp
import numpy as np

N_CLASSES = 100000
EMBED_DIM = 64
BATCH = 16384

def setup_inputs(seed: int = 0) -> dict:
    key = jax.random.key(seed)
    k_idx, k_tab = jax.random.split(key)
    x = jax.random.randint(k_idx, (BATCH,), 0, N_CLASSES, dtype=jnp.int64 if jax.config.jax_enable_x64 else jnp.int32)
    table = jax.random.normal(k_tab, (N_CLASSES, EMBED_DIM), dtype=jnp.float32)
    return {"x": x, "table": table}

def reference(x, table):
    # Eval-mode ClassEmbedder: cond_drop is only applied in training.
    # c = self.embedding(x)
    c = jnp.take(table, x, axis=0)
    return c

if __name__ == "__main__":
    import jax
    _d = setup_inputs()
    print(jax.jit(kernel)(*tuple(_d.values())))

</pallas_src>

<mosaic_0001>
#map = affine_map<(d0, d1) -> (0)>
#map1 = affine_map<(d0, d1) -> (0, 0)>
module attributes {stable_mosaic.version = 14 : i64} {
  func.func @_gather_kernel(%arg0: i32, %arg1: i32, %arg2: memref<16384xi32, #tpu.memory_space<hbm>>, %arg3: memref<100000x64xf32, #tpu.memory_space<hbm>>, %arg4: memref<16384x64xf32, #tpu.memory_space<hbm>>, %arg5: memref<512xi32, #tpu.memory_space<vmem>>, %arg6: memref<128x64xf32, #tpu.memory_space<vmem>>, %arg7: memref<128x64xf32, #tpu.memory_space<vmem>>, %arg8: memref<128x64xf32, #tpu.memory_space<vmem>>, %arg9: memref<128x64xf32, #tpu.memory_space<vmem>>, %arg10: memref<!tpu.dma_semaphore, #tpu.memory_space<semaphore_mem>>, %arg11: memref<!tpu.dma_semaphore, #tpu.memory_space<semaphore_mem>>, %arg12: memref<!tpu.dma_semaphore, #tpu.memory_space<semaphore_mem>>, %arg13: memref<!tpu.dma_semaphore, #tpu.memory_space<semaphore_mem>>, %arg14: memref<!tpu.dma_semaphore, #tpu.memory_space<semaphore_mem>>) attributes {dimension_semantics = [#tpu.dimension_semantics<core_parallel>, #tpu.dimension_semantics<subcore_parallel>], iteration_bounds = array<i64: 2, 16>, scalar_prefetch = 0 : i64, scratch_operands = 10 : i64, tpu.core_type = #tpu.core_type<sc_vector_subcore>, window_params = [{transform_indices = #map}, {transform_indices = #map1}, {transform_indices = #map1}]} {
    %mul3A = arith.constant 2 : i32
    %mul3A_0 = arith.muli %arg1, %mul3A : i32
    %add3A = arith.addi %mul3A_0, %arg0 : i32
    %mul3A_1 = arith.constant 512 : i32
    %mul3A_2 = arith.muli %add3A, %mul3A_1 : i32
    "tpu.region"() ({
      %run_scoped3A = tpu.sem_alloc : memref<!tpu.dma_semaphore, #tpu.memory_space<semaphore_mem>>
      %dma_start3A_92 = tpu.memref_slice %arg2[%mul3A_2] : memref<16384xi32, #tpu.memory_space<hbm>> -> memref<512xi32, #tpu.memory_space<hbm>>
      %dma_start3A_93 = tpu.memref_slice %arg2[%mul3A_2] : memref<16384xi32, #tpu.memory_space<hbm>> -> memref<512xi32, #tpu.memory_space<hbm>>
      tpu.enqueue_dma source(%dma_start3A_93 : memref<512xi32, #tpu.memory_space<hbm>>) target(%arg5 : memref<512xi32, #tpu.memory_space<vmem>>) target_semaphore(%run_scoped3A : memref<!tpu.dma_semaphore, #tpu.memory_space<semaphore_mem>>)
      %dma_wait3A_94 = tpu.memref_slice %arg2[%mul3A_2] : memref<16384xi32, #tpu.memory_space<hbm>> -> memref<512xi32, #tpu.memory_space<hbm>>
      %dma_wait3A_95 = tpu.memref_slice %arg2[%mul3A_2] : memref<16384xi32, #tpu.memory_space<hbm>> -> memref<512xi32, #tpu.memory_space<hbm>>
      tpu.wait_dma2 semaphore(%run_scoped3A : memref<!tpu.dma_semaphore, #tpu.memory_space<semaphore_mem>>) src(%dma_wait3A_95 : memref<512xi32, #tpu.memory_space<hbm>>) dst(%arg5 : memref<512xi32, #tpu.memory_space<vmem>>)
      tpu.yield
    }) : () -> ()
    %scan3A = arith.constant 0 : i32
    %scan3A_3 = arith.constant 0 : i32
    %scan3A_4 = arith.constant 8 : i32
    %scan3A_5 = arith.addi %scan3A_3, %scan3A_4 : i32
    %scan3A_6 = arith.constant 1 : i32
    %scan3A_7 = scf.for %scan3A_92 = %scan3A_3 to %scan3A_5 step %scan3A_6 iter_args(%scan3A_93 = %scan3A) -> (i32)  : i32 {
      %mul3A_94 = arith.constant 16 : i32
      %mul3A_95 = arith.muli %scan3A_92, %mul3A_94 : i32
      %add3A_96 = arith.constant 0 : i32
      %add3A_97 = arith.addi %add3A_96, %mul3A_95 : i32
      %get3A = arith.index_cast %add3A_97 : i32 to index
      %get3A_98 = tpu.vector_load %arg5[%get3A] {strides = array<i32>} : memref<512xi32, #tpu.memory_space<vmem>>, vector<16xi32>,
      %get3A_99 = vector.shape_cast %get3A_98 : vector<16xi32> to vector<16xi32>
      %slice3A = vector.extract_strided_slice %get3A_99 {offsets = [0], sizes = [1], strides = [1]} : vector<16xi32> to vector<1xi32>
      %squeeze3A = vector.extract %slice3A[0] : i32 from vector<1xi32>
      %mul3A_100 = arith.constant 16 : i32
      %mul3A_101 = arith.muli %scan3A_92, %mul3A_100 : i32
      %add3A_102 = arith.constant 0 : i32
      %add3A_103 = arith.addi %mul3A_101, %add3A_102 : i32
      %dma_start3A_104 = arith.constant 0 : i32
      %dma_start3A_105 = tpu.memref_slice %arg6[%add3A_103, %dma_start3A_104] : memref<128x64xf32, #tpu.memory_space<vmem>> -> memref<1x64xf32, #tpu.memory_space<vmem>>
      %dma_start3A_106 = arith.constant 0 : i32
      %dma_start3A_107 = tpu.memref_slice %arg3[%squeeze3A, %dma_start3A_106] : memref<100000x64xf32, #tpu.memory_space<hbm>> -> memref<1x64xf32, #tpu.memory_space<hbm>>
      %dma_start3A_108 = arith.constant 0 : i32
      %dma_start3A_109 = tpu.memref_slice %arg6[%add3A_103, %dma_start3A_108] : memref<128x64xf32, #tpu.memory_space<vmem>> -> memref<1x64xf32, #tpu.memory_space<vmem>>
      %dma_start3A_110 = arith.constant 0 : i32
      %dma_start3A_111 = tpu.memref_slice %arg3[%squeeze3A, %dma_start3A_110] : memref<100000x64xf32, #tpu.memory_space<hbm>> -> memref<1x64xf32, #tpu.memory_space<hbm>>
      tpu.enqueue_dma source(%dma_start3A_111 : memref<1x64xf32, #tpu.memory_space<hbm>>) target(%dma_start3A_109 : memref<1x64xf32, #tpu.memory_space<vmem>>) target_semaphore(%arg10 : memref<!tpu.dma_semaphore, #tpu.memory_space<semaphore_mem>>)
      %slice3A_112 = vector.extract_strided_slice %get3A_99 {offsets = [1], sizes = [1], strides = [1]} : vector<16xi32> to vector<1xi32>
      %squeeze3A_113 = vector.extract %slice3A_112[0] : i32 from vector<1xi32>
      %mul3A_114 = arith.constant 16 : i32
      %mul3A_115 = arith.muli %scan3A_92, %mul3A_114 : i32
      %add3A_116 = arith.constant 1 : i32
      %add3A_117 = arith.addi %mul3A_115, %add3A_116 : i32
      %dma_start3A_118 = arith.constant 0 : i32
      %dma_start3A_119 = tpu.memref_slice %arg6[%add3A_117, %dma_start3A_118] : memref<128x64xf32, #tpu.memory_space<vmem>> -> memref<1x64xf32, #tpu.memory_space<vmem>>
      %dma_start3A_120 = arith.constant 0 : i32
      %dma_start3A_121 = tpu.memref_slice %arg3[%squeeze3A_113, %dma_start3A_120] : memref<100000x64xf32, #tpu.memory_space<hbm>> -> memref<1x64xf32, #tpu.memory_space<hbm>>
      %dma_start3A_122 = arith.constant 0 : i32
      %dma_start3A_123 = tpu.memref_slice %arg6[%add3A_117, %dma_start3A_122] : memref<128x64xf32, #tpu.memory_space<vmem>> -> memref<1x64xf32, #tpu.memory_space<vmem>>
      %dma_start3A_124 = arith.constant 0 : i32
      %dma_start3A_125 = tpu.memref_slice %arg3[%squeeze3A_113, %dma_start3A_124] : memref<100000x64xf32, #tpu.memory_space<hbm>> -> memref<1x64xf32, #tpu.memory_space<hbm>>
      tpu.enqueue_dma source(%dma_start3A_125 : memref<1x64xf32, #tpu.memory_space<hbm>>) target(%dma_start3A_123 : memref<1x64xf32, #tpu.memory_space<vmem>>) target_semaphore(%arg10 : memref<!tpu.dma_semaphore, #tpu.memory_space<semaphore_mem>>)
      %slice3A_126 = vector.extract_strided_slice %get3A_99 {offsets = [2], sizes = [1], strides = [1]} : vector<16xi32> to vector<1xi32>
      %squeeze3A_127 = vector.extract %slice3A_126[0] : i32 from vector<1xi32>
      %mul3A_128 = arith.constant 16 : i32
      %mul3A_129 = arith.muli %scan3A_92, %mul3A_128 : i32
      %add3A_130 = arith.constant 2 : i32
      %add3A_131 = arith.addi %mul3A_129, %add3A_130 : i32
      %dma_start3A_132 = arith.constant 0 : i32
      %dma_start3A_133 = tpu.memref_slice %arg6[%add3A_131, %dma_start3A_132] : memref<128x64xf32, #tpu.memory_space<vmem>> -> memref<1x64xf32, #tpu.memory_space<vmem>>
      %dma_start3A_134 = arith.constant 0 : i32
      %dma_start3A_135 = tpu.memref_slice %arg3[%squeeze3A_127, %dma_start3A_134] : memref<100000x64xf32, #tpu.memory_space<hbm>> -> memref<1x64xf32, #tpu.memory_space<hbm>>
      %dma_start3A_136 = arith.constant 0 : i32
      %dma_start3A_137 = tpu.memref_slice %arg6[%add3A_131, %dma_start3A_136] : memref<128x64xf32, #tpu.memory_space<vmem>> -> memref<1x64xf32, #tpu.memory_space<vmem>>
      %dma_start3A_138 = arith.constant 0 : i32
      %dma_start3A_139 = tpu.memref_slice %arg3[%squeeze3A_127, %dma_start3A_138] : memref<100000x64xf32, #tpu.memory_space<hbm>> -> memref<1x64xf32, #tpu.memory_space<hbm>>
      tpu.enqueue_dma source(%dma_start3A_139 : memref<1x64xf32, #tpu.memory_space<hbm>>) target(%dma_start3A_137 : memref<1x64xf32, #tpu.memory_space<vmem>>) target_semaphore(%arg10 : memref<!tpu.dma_semaphore, #tpu.memory_space<semaphore_mem>>)
      %slice3A_140 = vector.extract_strided_slice %get3A_99 {offsets = [3], sizes = [1], strides = [1]} : vector<16xi32> to vector<1xi32>
      %squeeze3A_141 = vector.extract %slice3A_140[0] : i32 from vector<1xi32>
      %mul3A_142 = arith.constant 16 : i32
      %mul3A_143 = arith.muli %scan3A_92, %mul3A_142 : i32
      %add3A_144 = arith.constant 3 : i32
      %add3A_145 = arith.addi %mul3A_143, %add3A_144 : i32
      %dma_start3A_146 = arith.constant 0 : i32
      %dma_start3A_147 = tpu.memref_slice %arg6[%add3A_145, %dma_start3A_146] : memref<128x64xf32, #tpu.memory_space<vmem>> -> memref<1x64xf32, #tpu.memory_space<vmem>>
      %dma_start3A_148 = arith.constant 0 : i32
      %dma_start3A_149 = tpu.memref_slice %arg3[%squeeze3A_141, %dma_start3A_148] : memref<100000x64xf32, #tpu.memory_space<hbm>> -> memref<1x64xf32, #tpu.memory_space<hbm>>
      %dma_start3A_150 = arith.constant 0 : i32
      %dma_start3A_151 = tpu.memref_slice %arg6[%add3A_145, %dma_start3A_150] : memref<128x64xf32, #tpu.memory_space<vmem>> -> memref<1x64xf32, #tpu.memory_space<vmem>>
      %dma_start3A_152 = arith.constant 0 : i32
      %dma_start3A_153 = tpu.memref_slice %arg3[%squeeze3A_141, %dma_start3A_152] : memref<100000x64xf32, #tpu.memory_space<hbm>> -> memref<1x64xf32, #tpu.memory_space<hbm>>
      tpu.enqueue_dma source(%dma_start3A_153 : memref<1x64xf32, #tpu.memory_space<hbm>>) target(%dma_start3A_151 : memref<1x64xf32, #tpu.memory_space<vmem>>) target_semaphore(%arg10 : memref<!tpu.dma_semaphore, #tpu.memory_space<semaphore_mem>>)
      %slice3A_154 = vector.extract_strided_slice %get3A_99 {offsets = [4], sizes = [1], strides = [1]} : vector<16xi32> to vector<1xi32>
      %squeeze3A_155 = vector.extract %slice3A_154[0] : i32 from vector<1xi32>
      %mul3A_156 = arith.constant 16 : i32
      %mul3A_157 = arith.muli %scan3A_92, %mul3A_156 : i32
      %add3A_158 = arith.constant 4 : i32
      %add3A_159 = arith.addi %mul3A_157, %add3A_158 : i32
      %dma_start3A_160 = arith.constant 0 : i32
      %dma_start3A_161 = tpu.memref_slice %arg6[%add3A_159, %dma_start3A_160] : memref<128x64xf32, #tpu.memory_space<vmem>> -> memref<1x64xf32, #tpu.memory_space<vmem>>
      %dma_start3A_162 = arith.constant 0 : i32
      %dma_start3A_163 = tpu.memref_slice %arg3[%squeeze3A_155, %dma_start3A_162] : memref<100000x64xf32, #tpu.memory_space<hbm>> -> memref<1x64xf32, #tpu.memory_space<hbm>>
      %dma_start3A_164 = arith.constant 0 : i32
      %dma_start3A_165 = tpu.memref_slice %arg6[%add3A_159, %dma_start3A_164] : memref<128x64xf32, #tpu.memory_space<vmem>> -> memref<1x64xf32, #tpu.memory_space<vmem>>
      %dma_start3A_166 = arith.constant 0 : i32
      %dma_start3A_167 = tpu.memref_slice %arg3[%squeeze3A_155, %dma_start3A_166] : memref<100000x64xf32, #tpu.memory_space<hbm>> -> memref<1x64xf32, #tpu.memory_space<hbm>>
      tpu.enqueue_dma source(%dma_start3A_167 : memref<1x64xf32, #tpu.memory_space<hbm>>) target(%dma_start3A_165 : memref<1x64xf32, #tpu.memory_space<vmem>>) target_semaphore(%arg10 : memref<!tpu.dma_semaphore, #tpu.memory_space<semaphore_mem>>)
      %slice3A_168 = vector.extract_strided_slice %get3A_99 {offsets = [5], sizes = [1], strides = [1]} : vector<16xi32> to vector<1xi32>
      %squeeze3A_169 = vector.extract %slice3A_168[0] : i32 from vector<1xi32>
      %mul3A_170 = arith.constant 16 : i32
      %mul3A_171 = arith.muli %scan3A_92, %mul3A_170 : i32
      %add3A_172 = arith.constant 5 : i32
      %add3A_173 = arith.addi %mul3A_171, %add3A_172 : i32
      %dma_start3A_174 = arith.constant 0 : i32
      %dma_start3A_175 = tpu.memref_slice %arg6[%add3A_173, %dma_start3A_174] : memref<128x64xf32, #tpu.memory_space<vmem>> -> memref<1x64xf32, #tpu.memory_space<vmem>>
      %dma_start3A_176 = arith.constant 0 : i32
      %dma_start3A_177 = tpu.memref_slice %arg3[%squeeze3A_169, %dma_start3A_176] : memref<100000x64xf32, #tpu.memory_space<hbm>> -> memref<1x64xf32, #tpu.memory_space<hbm>>
      %dma_start3A_178 = arith.constant 0 : i32
      %dma_start3A_179 = tpu.memref_slice %arg6[%add3A_173, %dma_start3A_178] : memref<128x64xf32, #tpu.memory_space<vmem>> -> memref<1x64xf32, #tpu.memory_space<vmem>>
      %dma_start3A_180 = arith.constant 0 : i32
      %dma_start3A_181 = tpu.memref_slice %arg3[%squeeze3A_169, %dma_start3A_180] : memref<100000x64xf32, #tpu.memory_space<hbm>> -> memref<1x64xf32, #tpu.memory_space<hbm>>
      tpu.enqueue_dma source(%dma_start3A_181 : memref<1x64xf32, #tpu.memory_space<hbm>>) target(%dma_start3A_179 : memref<1x64xf32, #tpu.memory_space<vmem>>) target_semaphore(%arg10 : memref<!tpu.dma_semaphore, #tpu.memory_space<semaphore_mem>>)
      %slice3A_182 = vector.extract_strided_slice %get3A_99 {offsets = [6], sizes = [1], strides = [1]} : vector<16xi32> to vector<1xi32>
      %squeeze3A_183 = vector.extract %slice3A_182[0] : i32 from vector<1xi32>
      %mul3A_184 = arith.constant 16 : i32
      %mul3A_185 = arith.muli %scan3A_92, %mul3A_184 : i32
      %add3A_186 = arith.constant 6 : i32
      %add3A_187 = arith.addi %mul3A_185, %add3A_186 : i32
      %dma_start3A_188 = arith.constant 0 : i32
      %dma_start3A_189 = tpu.memref_slice %arg6[%add3A_187, %dma_start3A_188] : memref<128x64xf32, #tpu.memory_space<vmem>> -> memref<1x64xf32, #tpu.memory_space<vmem>>
      %dma_start3A_190 = arith.constant 0 : i32
      %dma_start3A_191 = tpu.memref_slice %arg3[%squeeze3A_183, %dma_start3A_190] : memref<100000x64xf32, #tpu.memory_space<hbm>> -> memref<1x64xf32, #tpu.memory_space<hbm>>
      %dma_start3A_192 = arith.constant 0 : i32
      %dma_start3A_193 = tpu.memref_slice %arg6[%add3A_187, %dma_start3A_192] : memref<128x64xf32, #tpu.memory_space<vmem>> -> memref<1x64xf32, #tpu.memory_space<vmem>>
      %dma_start3A_194 = arith.constant 0 : i32
      %dma_start3A_195 = tpu.memref_slice %arg3[%squeeze3A_183, %dma_start3A_194] : memref<100000x64xf32, #tpu.memory_space<hbm>> -> memref<1x64xf32, #tpu.memory_space<hbm>>
      tpu.enqueue_dma source(%dma_start3A_195 : memref<1x64xf32, #tpu.memory_space<hbm>>) target(%dma_start3A_193 : memref<1x64xf32, #tpu.memory_space<vmem>>) target_semaphore(%arg10 : memref<!tpu.dma_semaphore, #tpu.memory_space<semaphore_mem>>)
      %slice3A_196 = vector.extract_strided_slice %get3A_99 {offsets = [7], sizes = [1], strides = [1]} : vector<16xi32> to vector<1xi32>
      %squeeze3A_197 = vector.extract %slice3A_196[0] : i32 from vector<1xi32>
      %mul3A_198 = arith.constant 16 : i32
      %mul3A_199 = arith.muli %scan3A_92, %mul3A_198 : i32
      %add3A_200 = arith.constant 7 : i32
      %add3A_201 = arith.addi %mul3A_199, %add3A_200 : i32
      %dma_start3A_202 = arith.constant 0 : i32
      %dma_start3A_203 = tpu.memref_slice %arg6[%add3A_201, %dma_start3A_202] : memref<128x64xf32, #tpu.memory_space<vmem>> -> memref<1x64xf32, #tpu.memory_space<vmem>>
      %dma_start3A_204 = arith.constant 0 : i32
      %dma_start3A_205 = tpu.memref_slice %arg3[%squeeze3A_197, %dma_start3A_204] : memref<100000x64xf32, #tpu.memory_space<hbm>> -> memref<1x64xf32, #tpu.memory_space<hbm>>
      %dma_start3A_206 = arith.constant 0 : i32
      %dma_start3A_207 = tpu.memref_slice %arg6[%add3A_201, %dma_start3A_206] : memref<128x64xf32, #tpu.memory_space<vmem>> -> memref<1x64xf32, #tpu.memory_space<vmem>>
      %dma_start3A_208 = arith.constant 0 : i32
      %dma_start3A_209 = tpu.memref_slice %arg3[%squeeze3A_197, %dma_start3A_208] : memref<100000x64xf32, #tpu.memory_space<hbm>> -> memref<1x64xf32, #tpu.memory_space<hbm>>
      tpu.enqueue_dma source(%dma_start3A_209 : memref<1x64xf32, #tpu.memory_space<hbm>>) target(%dma_start3A_207 : memref<1x64xf32, #tpu.memory_space<vmem>>) target_semaphore(%arg10 : memref<!tpu.dma_semaphore, #tpu.memory_space<semaphore_mem>>)
      %slice3A_210 = vector.extract_strided_slice %get3A_99 {offsets = [8], sizes = [1], strides = [1]} : vector<16xi32> to vector<1xi32>
      %squeeze3A_211 = vector.extract %slice3A_210[0] : i32 from vector<1xi32>
      %mul3A_212 = arith.constant 16 : i32
      %mul3A_213 = arith.muli %scan3A_92, %mul3A_212 : i32
      %add3A_214 = arith.constant 8 : i32
      %add3A_215 = arith.addi %mul3A_213, %add3A_214 : i32
      %dma_start3A_216 = arith.constant 0 : i32
      %dma_start3A_217 = tpu.memref_slice %arg6[%add3A_215, %dma_start3A_216] : memref<128x64xf32, #tpu.memory_space<vmem>> -> memref<1x64xf32, #tpu.memory_space<vmem>>
      %dma_start3A_218 = arith.constant 0 : i32
      %dma_start3A_219 = tpu.memref_slice %arg3[%squeeze3A_211, %dma_start3A_218] : memref<100000x64xf32, #tpu.memory_space<hbm>> -> memref<1x64xf32, #tpu.memory_space<hbm>>
      %dma_start3A_220 = arith.constant 0 : i32
      %dma_start3A_221 = tpu.memref_slice %arg6[%add3A_215, %dma_start3A_220] : memref<128x64xf32, #tpu.memory_space<vmem>> -> memref<1x64xf32, #tpu.memory_space<vmem>>
      %dma_start3A_222 = arith.constant 0 : i32
      %dma_start3A_223 = tpu.memref_slice %arg3[%squeeze3A_211, %dma_start3A_222] : memref<100000x64xf32, #tpu.memory_space<hbm>> -> memref<1x64xf32, #tpu.memory_space<hbm>>
      tpu.enqueue_dma source(%dma_start3A_223 : memref<1x64xf32, #tpu.memory_space<hbm>>) target(%dma_start3A_221 : memref<1x64xf32, #tpu.memory_space<vmem>>) target_semaphore(%arg10 : memref<!tpu.dma_semaphore, #tpu.memory_space<semaphore_mem>>)
      %slice3A_224 = vector.extract_strided_slice %get3A_99 {offsets = [9], sizes = [1], strides = [1]} : vector<16xi32> to vector<1xi32>
      %squeeze3A_225 = vector.extract %slice3A_224[0] : i32 from vector<1xi32>
      %mul3A_226 = arith.constant 16 : i32
      %mul3A_227 = arith.muli %scan3A_92, %mul3A_226 : i32
      %add3A_228 = arith.constant 9 : i32
      %add3A_229 = arith.addi %mul3A_227, %add3A_228 : i32
      %dma_start3A_230 = arith.constant 0 : i32
      %dma_start3A_231 = tpu.memref_slice %arg6[%add3A_229, %dma_start3A_230] : memref<128x64xf32, #tpu.memory_space<vmem>> -> memref<1x64xf32, #tpu.memory_space<vmem>>
      %dma_start3A_232 = arith.constant 0 : i32
      %dma_start3A_233 = tpu.memref_slice %arg3[%squeeze3A_225, %dma_start3A_232] : memref<100000x64xf32, #tpu.memory_space<hbm>> -> memref<1x64xf32, #tpu.memory_space<hbm>>
      %dma_start3A_234 = arith.constant 0 : i32
      %dma_start3A_235 = tpu.memref_slice %arg6[%add3A_229, %dma_start3A_234] : memref<128x64xf32, #tpu.memory_space<vmem>> -> memref<1x64xf32, #tpu.memory_space<vmem>>
      %dma_start3A_236 = arith.constant 0 : i32
      %dma_start3A_237 = tpu.memref_slice %arg3[%squeeze3A_225, %dma_start3A_236] : memref<100000x64xf32, #tpu.memory_space<hbm>> -> memref<1x64xf32, #tpu.memory_space<hbm>>
      tpu.enqueue_dma source(%dma_start3A_237 : memref<1x64xf32, #tpu.memory_space<hbm>>) target(%dma_start3A_235 : memref<1x64xf32, #tpu.memory_space<vmem>>) target_semaphore(%arg10 : memref<!tpu.dma_semaphore, #tpu.memory_space<semaphore_mem>>)
      %slice3A_238 = vector.extract_strided_slice %get3A_99 {offsets = [10], sizes = [1], strides = [1]} : vector<16xi32> to vector<1xi32>
      %squeeze3A_239 = vector.extract %slice3A_238[0] : i32 from vector<1xi32>
      %mul3A_240 = arith.constant 16 : i32
      %mul3A_241 = arith.muli %scan3A_92, %mul3A_240 : i32
      %add3A_242 = arith.constant 10 : i32
      %add3A_243 = arith.addi %mul3A_241, %add3A_242 : i32
      %dma_start3A_244 = arith.constant 0 : i32
      %dma_start3A_245 = tpu.memref_slice %arg6[%add3A_243, %dma_start3A_244] : memref<128x64xf32, #tpu.memory_space<vmem>> -> memref<1x64xf32, #tpu.memory_space<vmem>>
      %dma_start3A_246 = arith.constant 0 : i32
      %dma_start3A_247 = tpu.memref_slice %arg3[%squeeze3A_239, %dma_start3A_246] : memref<100000x64xf32, #tpu.memory_space<hbm>> -> memref<1x64xf32, #tpu.memory_space<hbm>>
      %dma_start3A_248 = arith.constant 0 : i32
      %dma_start3A_249 = tpu.memref_slice %arg6[%add3A_243, %dma_start3A_248] : memref<128x64xf32, #tpu.memory_space<vmem>> -> memref<1x64xf32, #tpu.memory_space<vmem>>
      %dma_start3A_250 = arith.constant 0 : i32
      %dma_start3A_251 = tpu.memref_slice %arg3[%squeeze3A_239, %dma_start3A_250] : memref<100000x64xf32, #tpu.memory_space<hbm>> -> memref<1x64xf32, #tpu.memory_space<hbm>>
      tpu.enqueue_dma source(%dma_start3A_251 : memref<1x64xf32, #tpu.memory_space<hbm>>) target(%dma_start3A_249 : memref<1x64xf32, #tpu.memory_space<vmem>>) target_semaphore(%arg10 : memref<!tpu.dma_semaphore, #tpu.memory_space<semaphore_mem>>)
      %slice3A_252 = vector.extract_strided_slice %get3A_99 {offsets = [11], sizes = [1], strides = [1]} : vector<16xi32> to vector<1xi32>
      %squeeze3A_253 = vector.extract %slice3A_252[0] : i32 from vector<1xi32>
      %mul3A_254 = arith.constant 16 : i32
      %mul3A_255 = arith.muli %scan3A_92, %mul3A_254 : i32
      %add3A_256 = arith.constant 11 : i32
      %add3A_257 = arith.addi %mul3A_255, %add3A_256 : i32
      %dma_start3A_258 = arith.constant 0 : i32
      %dma_start3A_259 = tpu.memref_slice %arg6[%add3A_257, %dma_start3A_258] : memref<128x64xf32, #tpu.memory_space<vmem>> -> memref<1x64xf32, #tpu.memory_space<vmem>>
      %dma_start3A_260 = arith.constant 0 : i32
      %dma_start3A_261 = tpu.memref_slice %arg3[%squeeze3A_253, %dma_start3A_260] : memref<100000x64xf32, #tpu.memory_space<hbm>> -> memref<1x64xf32, #tpu.memory_space<hbm>>
      %dma_start3A_262 = arith.constant 0 : i32
      %dma_start3A_263 = tpu.memref_slice %arg6[%add3A_257, %dma_start3A_262] : memref<128x64xf32, #tpu.memory_space<vmem>> -> memref<1x64xf32, #tpu.memory_space<vmem>>
      %dma_start3A_264 = arith.constant 0 : i32
      %dma_start3A_265 = tpu.memref_slice %arg3[%squeeze3A_253, %dma_start3A_264] : memref<100000x64xf32, #tpu.memory_space<hbm>> -> memref<1x64xf32, #tpu.memory_space<hbm>>
      tpu.enqueue_dma source(%dma_start3A_265 : memref<1x64xf32, #tpu.memory_space<hbm>>) target(%dma_start3A_263 : memref<1x64xf32, #tpu.memory_space<vmem>>) target_semaphore(%arg10 : memref<!tpu.dma_semaphore, #tpu.memory_space<semaphore_mem>>)
      %slice3A_266 = vector.extract_strided_slice %get3A_99 {offsets = [12], sizes = [1], strides = [1]} : vector<16xi32> to vector<1xi32>
      %squeeze3A_267 = vector.extract %slice3A_266[0] : i32 from vector<1xi32>
      %mul3A_268 = arith.constant 16 : i32
      %mul3A_269 = arith.muli %scan3A_92, %mul3A_268 : i32
      %add3A_270 = arith.constant 12 : i32
      %add3A_271 = arith.addi %mul3A_269, %add3A_270 : i32
      %dma_start3A_272 = arith.constant 0 : i32
      %dma_start3A_273 = tpu.memref_slice %arg6[%add3A_271, %dma_start3A_272] : memref<128x64xf32, #tpu.memory_space<vmem>> -> memref<1x64xf32, #tpu.memory_space<vmem>>
      %dma_start3A_274 = arith.constant 0 : i32
      %dma_start3A_275 = tpu.memref_slice %arg3[%squeeze3A_267, %dma_start3A_274] : memref<100000x64xf32, #tpu.memory_space<hbm>> -> memref<1x64xf32, #tpu.memory_space<hbm>>
      %dma_start3A_276 = arith.constant 0 : i32
      %dma_start3A_277 = tpu.memref_slice %arg6[%add3A_271, %dma_start3A_276] : memref<128x64xf32, #tpu.memory_space<vmem>> -> memref<1x64xf32, #tpu.memory_space<vmem>>
      %dma_start3A_278 = arith.constant 0 : i32
      %dma_start3A_279 = tpu.memref_slice %arg3[%squeeze3A_267, %dma_start3A_278] : memref<100000x64xf32, #tpu.memory_space<hbm>> -> memref<1x64xf32, #tpu.memory_space<hbm>>
      tpu.enqueue_dma source(%dma_start3A_279 : memref<1x64xf32, #tpu.memory_space<hbm>>) target(%dma_start3A_277 : memref<1x64xf32, #tpu.memory_space<vmem>>) target_semaphore(%arg10 : memref<!tpu.dma_semaphore, #tpu.memory_space<semaphore_mem>>)
      %slice3A_280 = vector.extract_strided_slice %get3A_99 {offsets = [13], sizes = [1], strides = [1]} : vector<16xi32> to vector<1xi32>
      %squeeze3A_281 = vector.extract %slice3A_280[0] : i32 from vector<1xi32>
      %mul3A_282 = arith.constant 16 : i32
      %mul3A_283 = arith.muli %scan3A_92, %mul3A_282 : i32
      %add3A_284 = arith.constant 13 : i32
      %add3A_285 = arith.addi %mul3A_283, %add3A_284 : i32
      %dma_start3A_286 = arith.constant 0 : i32
      %dma_start3A_287 = tpu.memref_slice %arg6[%add3A_285, %dma_start3A_286] : memref<128x64xf32, #tpu.memory_space<vmem>> -> memref<1x64xf32, #tpu.memory_space<vmem>>
      %dma_start3A_288 = arith.constant 0 : i32
      %dma_start3A_289 = tpu.memref_slice %arg3[%squeeze3A_281, %dma_start3A_288] : memref<100000x64xf32, #tpu.memory_space<hbm>> -> memref<1x64xf32, #tpu.memory_space<hbm>>
      %dma_start3A_290 = arith.constant 0 : i32
      %dma_start3A_291 = tpu.memref_slice %arg6[%add3A_285, %dma_start3A_290] : memref<128x64xf32, #tpu.memory_space<vmem>> -> memref<1x64xf32, #tpu.memory_space<vmem>>
      %dma_start3A_292 = arith.constant 0 : i32
      %dma_start3A_293 = tpu.memref_slice %arg3[%squeeze3A_281, %dma_start3A_292] : memref<100000x64xf32, #tpu.memory_space<hbm>> -> memref<1x64xf32, #tpu.memory_space<hbm>>
      tpu.enqueue_dma source(%dma_start3A_293 : memref<1x64xf32, #tpu.memory_space<hbm>>) target(%dma_start3A_291 : memref<1x64xf32, #tpu.memory_space<vmem>>) target_semaphore(%arg10 : memref<!tpu.dma_semaphore, #tpu.memory_space<semaphore_mem>>)
      %slice3A_294 = vector.extract_strided_slice %get3A_99 {offsets = [14], sizes = [1], strides = [1]} : vector<16xi32> to vector<1xi32>
      %squeeze3A_295 = vector.extract %slice3A_294[0] : i32 from vector<1xi32>
      %mul3A_296 = arith.constant 16 : i32
      %mul3A_297 = arith.muli %scan3A_92, %mul3A_296 : i32
      %add3A_298 = arith.constant 14 : i32
      %add3A_299 = arith.addi %mul3A_297, %add3A_298 : i32
      %dma_start3A_300 = arith.constant 0 : i32
      %dma_start3A_301 = tpu.memref_slice %arg6[%add3A_299, %dma_start3A_300] : memref<128x64xf32, #tpu.memory_space<vmem>> -> memref<1x64xf32, #tpu.memory_space<vmem>>
      %dma_start3A_302 = arith.constant 0 : i32
      %dma_start3A_303 = tpu.memref_slice %arg3[%squeeze3A_295, %dma_start3A_302] : memref<100000x64xf32, #tpu.memory_space<hbm>> -> memref<1x64xf32, #tpu.memory_space<hbm>>
      %dma_start3A_304 = arith.constant 0 : i32
      %dma_start3A_305 = tpu.memref_slice %arg6[%add3A_299, %dma_start3A_304] : memref<128x64xf32, #tpu.memory_space<vmem>> -> memref<1x64xf32, #tpu.memory_space<vmem>>
      %dma_start3A_306 = arith.constant 0 : i32
      %dma_start3A_307 = tpu.memref_slice %arg3[%squeeze3A_295, %dma_start3A_306] : memref<100000x64xf32, #tpu.memory_space<hbm>> -> memref<1x64xf32, #tpu.memory_space<hbm>>
      tpu.enqueue_dma source(%dma_start3A_307 : memref<1x64xf32, #tpu.memory_space<hbm>>) target(%dma_start3A_305 : memref<1x64xf32, #tpu.memory_space<vmem>>) target_semaphore(%arg10 : memref<!tpu.dma_semaphore, #tpu.memory_space<semaphore_mem>>)
      %slice3A_308 = vector.extract_strided_slice %get3A_99 {offsets = [15], sizes = [1], strides = [1]} : vector<16xi32> to vector<1xi32>
      %squeeze3A_309 = vector.extract %slice3A_308[0] : i32 from vector<1xi32>
      %mul3A_310 = arith.constant 16 : i32
      %mul3A_311 = arith.muli %scan3A_92, %mul3A_310 : i32
      %add3A_312 = arith.constant 15 : i32
      %add3A_313 = arith.addi %mul3A_311, %add3A_312 : i32
      %dma_start3A_314 = arith.constant 0 : i32
      %dma_start3A_315 = tpu.memref_slice %arg6[%add3A_313, %dma_start3A_314] : memref<128x64xf32, #tpu.memory_space<vmem>> -> memref<1x64xf32, #tpu.memory_space<vmem>>
      %dma_start3A_316 = arith.constant 0 : i32
      %dma_start3A_317 = tpu.memref_slice %arg3[%squeeze3A_309, %dma_start3A_316] : memref<100000x64xf32, #tpu.memory_space<hbm>> -> memref<1x64xf32, #tpu.memory_space<hbm>>
      %dma_start3A_318 = arith.constant 0 : i32
      %dma_start3A_319 = tpu.memref_slice %arg6[%add3A_313, %dma_start3A_318] : memref<128x64xf32, #tpu.memory_space<vmem>> -> memref<1x64xf32, #tpu.memory_space<vmem>>
      %dma_start3A_320 = arith.constant 0 : i32
      %dma_start3A_321 = tpu.memref_slice %arg3[%squeeze3A_309, %dma_start3A_320] : memref<100000x64xf32, #tpu.memory_space<hbm>> -> memref<1x64xf32, #tpu.memory_space<hbm>>
      tpu.enqueue_dma source(%dma_start3A_321 : memref<1x64xf32, #tpu.memory_space<hbm>>) target(%dma_start3A_319 : memref<1x64xf32, #tpu.memory_space<vmem>>) target_semaphore(%arg10 : memref<!tpu.dma_semaphore, #tpu.memory_space<semaphore_mem>>)
      %scan3A_322 = arith.constant 0 : i32
      scf.yield %scan3A_322 : i32
    }
    %scan3A_8 = arith.constant 8 : i32
    %scan3A_9 = arith.constant 0 : i32
    %scan3A_10 = arith.constant 0 : i32
    %scan3A_11 = arith.constant 8 : i32
    %scan3A_12 = arith.addi %scan3A_10, %scan3A_11 : i32
    %scan3A_13 = arith.constant 1 : i32
    %scan3A_14 = scf.for %scan3A_92 = %scan3A_10 to %scan3A_12 step %scan3A_13 iter_args(%scan3A_93 = %scan3A_9) -> (i32)  : i32 {
      %mul3A_94 = arith.constant 16 : i32
      %mul3A_95 = arith.muli %scan3A_92, %mul3A_94 : i32
      %add3A_96 = arith.constant 128 : i32
      %add3A_97 = arith.addi %add3A_96, %mul3A_95 : i32
      %get3A = arith.index_cast %add3A_97 : i32 to index
      %get3A_98 = tpu.vector_load %arg5[%get3A] {strides = array<i32>} : memref<512xi32, #tpu.memory_space<vmem>>, vector<16xi32>,
      %get3A_99 = vector.shape_cast %get3A_98 : vector<16xi32> to vector<16xi32>
      %slice3A = vector.extract_strided_slice %get3A_99 {offsets = [0], sizes = [1], strides = [1]} : vector<16xi32> to vector<1xi32>
      %squeeze3A = vector.extract %slice3A[0] : i32 from vector<1xi32>
      %mul3A_100 = arith.constant 16 : i32
      %mul3A_101 = arith.muli %scan3A_92, %mul3A_100 : i32
      %add3A_102 = arith.constant 0 : i32
      %add3A_103 = arith.addi %mul3A_101, %add3A_102 : i32
      %dma_start3A_104 = arith.constant 0 : i32
      %dma_start3A_105 = tpu.memref_slice %arg7[%add3A_103, %dma_start3A_104] : memref<128x64xf32, #tpu.memory_space<vmem>> -> memref<1x64xf32, #tpu.memory_space<vmem>>
      %dma_start3A_106 = arith.constant 0 : i32
      %dma_start3A_107 = tpu.memref_slice %arg3[%squeeze3A, %dma_start3A_106] : memref<100000x64xf32, #tpu.memory_space<hbm>> -> memref<1x64xf32, #tpu.memory_space<hbm>>
      %dma_start3A_108 = arith.constant 0 : i32
      %dma_start3A_109 = tpu.memref_slice %arg7[%add3A_103, %dma_start3A_108] : memref<128x64xf32, #tpu.memory_space<vmem>> -> memref<1x64xf32, #tpu.memory_space<vmem>>
      %dma_start3A_110 = arith.constant 0 : i32
      %dma_start3A_111 = tpu.memref_slice %arg3[%squeeze3A, %dma_start3A_110] : memref<100000x64xf32, #tpu.memory_space<hbm>> -> memref<1x64xf32, #tpu.memory_space<hbm>>
      tpu.enqueue_dma source(%dma_start3A_111 : memref<1x64xf32, #tpu.memory_space<hbm>>) target(%dma_start3A_109 : memref<1x64xf32, #tpu.memory_space<vmem>>) target_semaphore(%arg11 : memref<!tpu.dma_semaphore, #tpu.memory_space<semaphore_mem>>)
      %slice3A_112 = vector.extract_strided_slice %get3A_99 {offsets = [1], sizes = [1], strides = [1]} : vector<16xi32> to vector<1xi32>
      %squeeze3A_113 = vector.extract %slice3A_112[0] : i32 from vector<1xi32>
      %mul3A_114 = arith.constant 16 : i32
      %mul3A_115 = arith.muli %scan3A_92, %mul3A_114 : i32
      %add3A_116 = arith.constant 1 : i32
      %add3A_117 = arith.addi %mul3A_115, %add3A_116 : i32
      %dma_start3A_118 = arith.constant 0 : i32
      %dma_start3A_119 = tpu.memref_slice %arg7[%add3A_117, %dma_start3A_118] : memref<128x64xf32, #tpu.memory_space<vmem>> -> memref<1x64xf32, #tpu.memory_space<vmem>>
      %dma_start3A_120 = arith.constant 0 : i32
      %dma_start3A_121 = tpu.memref_slice %arg3[%squeeze3A_113, %dma_start3A_120] : memref<100000x64xf32, #tpu.memory_space<hbm>> -> memref<1x64xf32, #tpu.memory_space<hbm>>
      %dma_start3A_122 = arith.constant 0 : i32
      %dma_start3A_123 = tpu.memref_slice %arg7[%add3A_117, %dma_start3A_122] : memref<128x64xf32, #tpu.memory_space<vmem>> -> memref<1x64xf32, #tpu.memory_space<vmem>>
      %dma_start3A_124 = arith.constant 0 : i32
      %dma_start3A_125 = tpu.memref_slice %arg3[%squeeze3A_113, %dma_start3A_124] : memref<100000x64xf32, #tpu.memory_space<hbm>> -> memref<1x64xf32, #tpu.memory_space<hbm>>
      tpu.enqueue_dma source(%dma_start3A_125 : memref<1x64xf32, #tpu.memory_space<hbm>>) target(%dma_start3A_123 : memref<1x64xf32, #tpu.memory_space<vmem>>) target_semaphore(%arg11 : memref<!tpu.dma_semaphore, #tpu.memory_space<semaphore_mem>>)
      %slice3A_126 = vector.extract_strided_slice %get3A_99 {offsets = [2], sizes = [1], strides = [1]} : vector<16xi32> to vector<1xi32>
      %squeeze3A_127 = vector.extract %slice3A_126[0] : i32 from vector<1xi32>
      %mul3A_128 = arith.constant 16 : i32
      %mul3A_129 = arith.muli %scan3A_92, %mul3A_128 : i32
      %add3A_130 = arith.constant 2 : i32
      %add3A_131 = arith.addi %mul3A_129, %add3A_130 : i32
      %dma_start3A_132 = arith.constant 0 : i32
      %dma_start3A_133 = tpu.memref_slice %arg7[%add3A_131, %dma_start3A_132] : memref<128x64xf32, #tpu.memory_space<vmem>> -> memref<1x64xf32, #tpu.memory_space<vmem>>
      %dma_start3A_134 = arith.constant 0 : i32
      %dma_start3A_135 = tpu.memref_slice %arg3[%squeeze3A_127, %dma_start3A_134] : memref<100000x64xf32, #tpu.memory_space<hbm>> -> memref<1x64xf32, #tpu.memory_space<hbm>>
      %dma_start3A_136 = arith.constant 0 : i32
      %dma_start3A_137 = tpu.memref_slice %arg7[%add3A_131, %dma_start3A_136] : memref<128x64xf32, #tpu.memory_space<vmem>> -> memref<1x64xf32, #tpu.memory_space<vmem>>
      %dma_start3A_138 = arith.constant 0 : i32
      %dma_start3A_139 = tpu.memref_slice %arg3[%squeeze3A_127, %dma_start3A_138] : memref<100000x64xf32, #tpu.memory_space<hbm>> -> memref<1x64xf32, #tpu.memory_space<hbm>>
      tpu.enqueue_dma source(%dma_start3A_139 : memref<1x64xf32, #tpu.memory_space<hbm>>) target(%dma_start3A_137 : memref<1x64xf32, #tpu.memory_space<vmem>>) target_semaphore(%arg11 : memref<!tpu.dma_semaphore, #tpu.memory_space<semaphore_mem>>)
      %slice3A_140 = vector.extract_strided_slice %get3A_99 {offsets = [3], sizes = [1], strides = [1]} : vector<16xi32> to vector<1xi32>
      %squeeze3A_141 = vector.extract %slice3A_140[0] : i32 from vector<1xi32>
      %mul3A_142 = arith.constant 16 : i32
      %mul3A_143 = arith.muli %scan3A_92, %mul3A_142 : i32
      %add3A_144 = arith.constant 3 : i32
      %add3A_145 = arith.addi %mul3A_143, %add3A_144 : i32
      %dma_start3A_146 = arith.constant 0 : i32
      %dma_start3A_147 = tpu.memref_slice %arg7[%add3A_145, %dma_start3A_146] : memref<128x64xf32, #tpu.memory_space<vmem>> -> memref<1x64xf32, #tpu.memory_space<vmem>>
      %dma_start3A_148 = arith.constant 0 : i32
      %dma_start3A_149 = tpu.memref_slice %arg3[%squeeze3A_141, %dma_start3A_148] : memref<100000x64xf32, #tpu.memory_space<hbm>> -> memref<1x64xf32, #tpu.memory_space<hbm>>
      %dma_start3A_150 = arith.constant 0 : i32
      %dma_start3A_151 = tpu.memref_slice %arg7[%add3A_145, %dma_start3A_150] : memref<128x64xf32, #tpu.memory_space<vmem>> -> memref<1x64xf32, #tpu.memory_space<vmem>>
      %dma_start3A_152 = arith.constant 0 : i32
      %dma_start3A_153 = tpu.memref_slice %arg3[%squeeze3A_141, %dma_start3A_152] : memref<100000x64xf32, #tpu.memory_space<hbm>> -> memref<1x64xf32, #tpu.memory_space<hbm>>
      tpu.enqueue_dma source(%dma_start3A_153 : memref<1x64xf32, #tpu.memory_space<hbm>>) target(%dma_start3A_151 : memref<1x64xf32, #tpu.memory_space<vmem>>) target_semaphore(%arg11 : memref<!tpu.dma_semaphore, #tpu.memory_space<semaphore_mem>>)
      %slice3A_154 = vector.extract_strided_slice %get3A_99 {offsets = [4], sizes = [1], strides = [1]} : vector<16xi32> to vector<1xi32>
      %squeeze3A_155 = vector.extract %slice3A_154[0] : i32 from vector<1xi32>
      %mul3A_156 = arith.constant 16 : i32
      %mul3A_157 = arith.muli %scan3A_92, %mul3A_156 : i32
      %add3A_158 = arith.constant 4 : i32
      %add3A_159 = arith.addi %mul3A_157, %add3A_158 : i32
      %dma_start3A_160 = arith.constant 0 : i32
      %dma_start3A_161 = tpu.memref_slice %arg7[%add3A_159, %dma_start3A_160] : memref<128x64xf32, #tpu.memory_space<vmem>> -> memref<1x64xf32, #tpu.memory_space<vmem>>
      %dma_start3A_162 = arith.constant 0 : i32
      %dma_start3A_163 = tpu.memref_slice %arg3[%squeeze3A_155, %dma_start3A_162] : memref<100000x64xf32, #tpu.memory_space<hbm>> -> memref<1x64xf32, #tpu.memory_space<hbm>>
      %dma_start3A_164 = arith.constant 0 : i32
      %dma_start3A_165 = tpu.memref_slice %arg7[%add3A_159, %dma_start3A_164] : memref<128x64xf32, #tpu.memory_space<vmem>> -> memref<1x64xf32, #tpu.memory_space<vmem>>
      %dma_start3A_166 = arith.constant 0 : i32
      %dma_start3A_167 = tpu.memref_slice %arg3[%squeeze3A_155, %dma_start3A_166] : memref<100000x64xf32, #tpu.memory_space<hbm>> -> memref<1x64xf32, #tpu.memory_space<hbm>>
      tpu.enqueue_dma source(%dma_start3A_167 : memref<1x64xf32, #tpu.memory_space<hbm>>) target(%dma_start3A_165 : memref<1x64xf32, #tpu.memory_space<vmem>>) target_semaphore(%arg11 : memref<!tpu.dma_semaphore, #tpu.memory_space<semaphore_mem>>)
      %slice3A_168 = vector.extract_strided_slice %get3A_99 {offsets = [5], sizes = [1], strides = [1]} : vector<16xi32> to vector<1xi32>
      %squeeze3A_169 = vector.extract %slice3A_168[0] : i32 from vector<1xi32>
      %mul3A_170 = arith.constant 16 : i32
      %mul3A_171 = arith.muli %scan3A_92, %mul3A_170 : i32
      %add3A_172 = arith.constant 5 : i32
      %add3A_173 = arith.addi %mul3A_171, %add3A_172 : i32
      %dma_start3A_174 = arith.constant 0 : i32
      %dma_start3A_175 = tpu.memref_slice %arg7[%add3A_173, %dma_start3A_174] : memref<128x64xf32, #tpu.memory_space<vmem>> -> memref<1x64xf32, #tpu.memory_space<vmem>>
      %dma_start3A_176 = arith.constant 0 : i32
      %dma_start3A_177 = tpu.memref_slice %arg3[%squeeze3A_169, %dma_start3A_176] : memref<100000x64xf32, #tpu.memory_space<hbm>> -> memref<1x64xf32, #tpu.memory_space<hbm>>
      %dma_start3A_178 = arith.constant 0 : i32
      %dma_start3A_179 = tpu.memref_slice %arg7[%add3A_173, %dma_start3A_178] : memref<128x64xf32, #tpu.memory_space<vmem>> -> memref<1x64xf32, #tpu.memory_space<vmem>>
      %dma_start3A_180 = arith.constant 0 : i32
      %dma_start3A_181 = tpu.memref_slice %arg3[%squeeze3A_169, %dma_start3A_180] : memref<100000x64xf32, #tpu.memory_space<hbm>> -> memref<1x64xf32, #tpu.memory_space<hbm>>
      tpu.enqueue_dma source(%dma_start3A_181 : memref<1x64xf32, #tpu.memory_space<hbm>>) target(%dma_start3A_179 : memref<1x64xf32, #tpu.memory_space<vmem>>) target_semaphore(%arg11 : memref<!tpu.dma_semaphore, #tpu.memory_space<semaphore_mem>>)
      %slice3A_182 = vector.extract_strided_slice %get3A_99 {offsets = [6], sizes = [1], strides = [1]} : vector<16xi32> to vector<1xi32>
      %squeeze3A_183 = vector.extract %slice3A_182[0] : i32 from vector<1xi32>
      %mul3A_184 = arith.constant 16 : i32
      %mul3A_185 = arith.muli %scan3A_92, %mul3A_184 : i32
      %add3A_186 = arith.constant 6 : i32
      %add3A_187 = arith.addi %mul3A_185, %add3A_186 : i32
      %dma_start3A_188 = arith.constant 0 : i32
      %dma_start3A_189 = tpu.memref_slice %arg7[%add3A_187, %dma_start3A_188] : memref<128x64xf32, #tpu.memory_space<vmem>> -> memref<1x64xf32, #tpu.memory_space<vmem>>
      %dma_start3A_190 = arith.constant 0 : i32
      %dma_start3A_191 = tpu.memref_slice %arg3[%squeeze3A_183, %dma_start3A_190] : memref<100000x64xf32, #tpu.memory_space<hbm>> -> memref<1x64xf32, #tpu.memory_space<hbm>>
      %dma_start3A_192 = arith.constant 0 : i32
      %dma_start3A_193 = tpu.memref_slice %arg7[%add3A_187, %dma_start3A_192] : memref<128x64xf32, #tpu.memory_space<vmem>> -> memref<1x64xf32, #tpu.memory_space<vmem>>
      %dma_start3A_194 = arith.constant 0 : i32
      %dma_start3A_195 = tpu.memref_slice %arg3[%squeeze3A_183, %dma_start3A_194] : memref<100000x64xf32, #tpu.memory_space<hbm>> -> memref<1x64xf32, #tpu.memory_space<hbm>>
      tpu.enqueue_dma source(%dma_start3A_195 : memref<1x64xf32, #tpu.memory_space<hbm>>) target(%dma_start3A_193 : memref<1x64xf32, #tpu.memory_space<vmem>>) target_semaphore(%arg11 : memref<!tpu.dma_semaphore, #tpu.memory_space<semaphore_mem>>)
      %slice3A_196 = vector.extract_strided_slice %get3A_99 {offsets = [7], sizes = [1], strides = [1]} : vector<16xi32> to vector<1xi32>
      %squeeze3A_197 = vector.extract %slice3A_196[0] : i32 from vector<1xi32>
      %mul3A_198 = arith.constant 16 : i32
      %mul3A_199 = arith.muli %scan3A_92, %mul3A_198 : i32
      %add3A_200 = arith.constant 7 : i32
      %add3A_201 = arith.addi %mul3A_199, %add3A_200 : i32
      %dma_start3A_202 = arith.constant 0 : i32
      %dma_start3A_203 = tpu.memref_slice %arg7[%add3A_201, %dma_start3A_202] : memref<128x64xf32, #tpu.memory_space<vmem>> -> memref<1x64xf32, #tpu.memory_space<vmem>>
      %dma_start3A_204 = arith.constant 0 : i32
      %dma_start3A_205 = tpu.memref_slice %arg3[%squeeze3A_197, %dma_start3A_204] : memref<100000x64xf32, #tpu.memory_space<hbm>> -> memref<1x64xf32, #tpu.memory_space<hbm>>
      %dma_start3A_206 = arith.constant 0 : i32
      %dma_start3A_207 = tpu.memref_slice %arg7[%add3A_201, %dma_start3A_206] : memref<128x64xf32, #tpu.memory_space<vmem>> -> memref<1x64xf32, #tpu.memory_space<vmem>>
      %dma_start3A_208 = arith.constant 0 : i32
      %dma_start3A_209 = tpu.memref_slice %arg3[%squeeze3A_197, %dma_start3A_208] : memref<100000x64xf32, #tpu.memory_space<hbm>> -> memref<1x64xf32, #tpu.memory_space<hbm>>
      tpu.enqueue_dma source(%dma_start3A_209 : memref<1x64xf32, #tpu.memory_space<hbm>>) target(%dma_start3A_207 : memref<1x64xf32, #tpu.memory_space<vmem>>) target_semaphore(%arg11 : memref<!tpu.dma_semaphore, #tpu.memory_space<semaphore_mem>>)
      %slice3A_210 = vector.extract_strided_slice %get3A_99 {offsets = [8], sizes = [1], strides = [1]} : vector<16xi32> to vector<1xi32>
      %squeeze3A_211 = vector.extract %slice3A_210[0] : i32 from vector<1xi32>
      %mul3A_212 = arith.constant 16 : i32
      %mul3A_213 = arith.muli %scan3A_92, %mul3A_212 : i32
      %add3A_214 = arith.constant 8 : i32
      %add3A_215 = arith.addi %mul3A_213, %add3A_214 : i32
      %dma_start3A_216 = arith.constant 0 : i32
      %dma_start3A_217 = tpu.memref_slice %arg7[%add3A_215, %dma_start3A_216] : memref<128x64xf32, #tpu.memory_space<vmem>> -> memref<1x64xf32, #tpu.memory_space<vmem>>
      %dma_start3A_218 = arith.constant 0 : i32
      %dma_start3A_219 = tpu.memref_slice %arg3[%squeeze3A_211, %dma_start3A_218] : memref<100000x64xf32, #tpu.memory_space<hbm>> -> memref<1x64xf32, #tpu.memory_space<hbm>>
      %dma_start3A_220 = arith.constant 0 : i32
      %dma_start3A_221 = tpu.memref_slice %arg7[%add3A_215, %dma_start3A_220] : memref<128x64xf32, #tpu.memory_space<vmem>> -> memref<1x64xf32, #tpu.memory_space<vmem>>
      %dma_start3A_222 = arith.constant 0 : i32
      %dma_start3A_223 = tpu.memref_slice %arg3[%squeeze3A_211, %dma_start3A_222] : memref<100000x64xf32, #tpu.memory_space<hbm>> -> memref<1x64xf32, #tpu.memory_space<hbm>>
      tpu.enqueue_dma source(%dma_start3A_223 : memref<1x64xf32, #tpu.memory_space<hbm>>) target(%dma_start3A_221 : memref<1x64xf32, #tpu.memory_space<vmem>>) target_semaphore(%arg11 : memref<!tpu.dma_semaphore, #tpu.memory_space<semaphore_mem>>)
      %slice3A_224 = vector.extract_strided_slice %get3A_99 {offsets = [9], sizes = [1], strides = [1]} : vector<16xi32> to vector<1xi32>
      %squeeze3A_225 = vector.extract %slice3A_224[0] : i32 from vector<1xi32>
      %mul3A_226 = arith.constant 16 : i32
      %mul3A_227 = arith.muli %scan3A_92, %mul3A_226 : i32
      %add3A_228 = arith.constant 9 : i32
      %add3A_229 = arith.addi %mul3A_227, %add3A_228 : i32
      %dma_start3A_230 = arith.constant 0 : i32
      %dma_start3A_231 = tpu.memref_slice %arg7[%add3A_229, %dma_start3A_230] : memref<128x64xf32, #tpu.memory_space<vmem>> -> memref<1x64xf32, #tpu.memory_space<vmem>>
      %dma_start3A_232 = arith.constant 0 : i32
      %dma_start3A_233 = tpu.memref_slice %arg3[%squeeze3A_225, %dma_start3A_232] : memref<100000x64xf32, #tpu.memory_space<hbm>> -> memref<1x64xf32, #tpu.memory_space<hbm>>
      %dma_start3A_234 = arith.constant 0 : i32
      %dma_start3A_235 = tpu.memref_slice %arg7[%add3A_229, %dma_start3A_234] : memref<128x64xf32, #tpu.memory_space<vmem>> -> memref<1x64xf32, #tpu.memory_space<vmem>>
      %dma_start3A_236 = arith.constant 0 : i32
      %dma_start3A_237 = tpu.memref_slice %arg3[%squeeze3A_225, %dma_start3A_236] : memref<100000x64xf32, #tpu.memory_space<hbm>> -> memref<1x64xf32, #tpu.memory_space<hbm>>
      tpu.enqueue_dma source(%dma_start3A_237 : memref<1x64xf32, #tpu.memory_space<hbm>>) target(%dma_start3A_235 : memref<1x64xf32, #tpu.memory_space<vmem>>) target_semaphore(%arg11 : memref<!tpu.dma_semaphore, #tpu.memory_space<semaphore_mem>>)
      %slice3A_238 = vector.extract_strided_slice %get3A_99 {offsets = [10], sizes = [1], strides = [1]} : vector<16xi32> to vector<1xi32>
      %squeeze3A_239 = vector.extract %slice3A_238[0] : i32 from vector<1xi32>
      %mul3A_240 = arith.constant 16 : i32
      %mul3A_241 = arith.muli %scan3A_92, %mul3A_240 : i32
      %add3A_242 = arith.constant 10 : i32
      %add3A_243 = arith.addi %mul3A_241, %add3A_242 : i32
      %dma_start3A_244 = arith.constant 0 : i32
      %dma_start3A_245 = tpu.memref_slice %arg7[%add3A_243, %dma_start3A_244] : memref<128x64xf32, #tpu.memory_space<vmem>> -> memref<1x64xf32, #tpu.memory_space<vmem>>
      %dma_start3A_246 = arith.constant 0 : i32
      %dma_start3A_247 = tpu.memref_slice %arg3[%squeeze3A_239, %dma_start3A_246] : memref<100000x64xf32, #tpu.memory_space<hbm>> -> memref<1x64xf32, #tpu.memory_space<hbm>>
      %dma_start3A_248 = arith.constant 0 : i32
      %dma_start3A_249 = tpu.memref_slice %arg7[%add3A_243, %dma_start3A_248] : memref<128x64xf32, #tpu.memory_space<vmem>> -> memref<1x64xf32, #tpu.memory_space<vmem>>
      %dma_start3A_250 = arith.constant 0 : i32
      %dma_start3A_251 = tpu.memref_slice %arg3[%squeeze3A_239, %dma_start3A_250] : memref<100000x64xf32, #tpu.memory_space<hbm>> -> memref<1x64xf32, #tpu.memory_space<hbm>>
      tpu.enqueue_dma source(%dma_start3A_251 : memref<1x64xf32, #tpu.memory_space<hbm>>) target(%dma_start3A_249 : memref<1x64xf32, #tpu.memory_space<vmem>>) target_semaphore(%arg11 : memref<!tpu.dma_semaphore, #tpu.memory_space<semaphore_mem>>)
      %slice3A_252 = vector.extract_strided_slice %get3A_99 {offsets = [11], sizes = [1], strides = [1]} : vector<16xi32> to vector<1xi32>
      %squeeze3A_253 = vector.extract %slice3A_252[0] : i32 from vector<1xi32>
      %mul3A_254 = arith.constant 16 : i32
      %mul3A_255 = arith.muli %scan3A_92, %mul3A_254 : i32
      %add3A_256 = arith.constant 11 : i32
      %add3A_257 = arith.addi %mul3A_255, %add3A_256 : i32
      %dma_start3A_258 = arith.constant 0 : i32
      %dma_start3A_259 = tpu.memref_slice %arg7[%add3A_257, %dma_start3A_258] : memref<128x64xf32, #tpu.memory_space<vmem>> -> memref<1x64xf32, #tpu.memory_space<vmem>>
      %dma_start3A_260 = arith.constant 0 : i32
      %dma_start3A_261 = tpu.memref_slice %arg3[%squeeze3A_253, %dma_start3A_260] : memref<100000x64xf32, #tpu.memory_space<hbm>> -> memref<1x64xf32, #tpu.memory_space<hbm>>
      %dma_start3A_262 = arith.constant 0 : i32
      %dma_start3A_263 = tpu.memref_slice %arg7[%add3A_257, %dma_start3A_262] : memref<128x64xf32, #tpu.memory_space<vmem>> -> memref<1x64xf32, #tpu.memory_space<vmem>>
      %dma_start3A_264 = arith.constant 0 : i32
      %dma_start3A_265 = tpu.memref_slice %arg3[%squeeze3A_253, %dma_start3A_264] : memref<100000x64xf32, #tpu.memory_space<hbm>> -> memref<1x64xf32, #tpu.memory_space<hbm>>
      tpu.enqueue_dma source(%dma_start3A_265 : memref<1x64xf32, #tpu.memory_space<hbm>>) target(%dma_start3A_263 : memref<1x64xf32, #tpu.memory_space<vmem>>) target_semaphore(%arg11 : memref<!tpu.dma_semaphore, #tpu.memory_space<semaphore_mem>>)
      %slice3A_266 = vector.extract_strided_slice %get3A_99 {offsets = [12], sizes = [1], strides = [1]} : vector<16xi32> to vector<1xi32>
      %squeeze3A_267 = vector.extract %slice3A_266[0] : i32 from vector<1xi32>
      %mul3A_268 = arith.constant 16 : i32
      %mul3A_269 = arith.muli %scan3A_92, %mul3A_268 : i32
      %add3A_270 = arith.constant 12 : i32
      %add3A_271 = arith.addi %mul3A_269, %add3A_270 : i32
      %dma_start3A_272 = arith.constant 0 : i32
      %dma_start3A_273 = tpu.memref_slice %arg7[%add3A_271, %dma_start3A_272] : memref<128x64xf32, #tpu.memory_space<vmem>> -> memref<1x64xf32, #tpu.memory_space<vmem>>
      %dma_start3A_274 = arith.constant 0 : i32
      %dma_start3A_275 = tpu.memref_slice %arg3[%squeeze3A_267, %dma_start3A_274] : memref<100000x64xf32, #tpu.memory_space<hbm>> -> memref<1x64xf32, #tpu.memory_space<hbm>>
      %dma_start3A_276 = arith.constant 0 : i32
      %dma_start3A_277 = tpu.memref_slice %arg7[%add3A_271, %dma_start3A_276] : memref<128x64xf32, #tpu.memory_space<vmem>> -> memref<1x64xf32, #tpu.memory_space<vmem>>
      %dma_start3A_278 = arith.constant 0 : i32
      %dma_start3A_279 = tpu.memref_slice %arg3[%squeeze3A_267, %dma_start3A_278] : memref<100000x64xf32, #tpu.memory_space<hbm>> -> memref<1x64xf32, #tpu.memory_space<hbm>>
      tpu.enqueue_dma source(%dma_start3A_279 : memref<1x64xf32, #tpu.memory_space<hbm>>) target(%dma_start3A_277 : memref<1x64xf32, #tpu.memory_space<vmem>>) target_semaphore(%arg11 : memref<!tpu.dma_semaphore, #tpu.memory_space<semaphore_mem>>)
      %slice3A_280 = vector.extract_strided_slice %get3A_99 {offsets = [13], sizes = [1], strides = [1]} : vector<16xi32> to vector<1xi32>
      %squeeze3A_281 = vector.extract %slice3A_280[0] : i32 from vector<1xi32>
      %mul3A_282 = arith.constant 16 : i32
      %mul3A_283 = arith.muli %scan3A_92, %mul3A_282 : i32
      %add3A_284 = arith.constant 13 : i32
      %add3A_285 = arith.addi %mul3A_283, %add3A_284 : i32
      %dma_start3A_286 = arith.constant 0 : i32
      %dma_start3A_287 = tpu.memref_slice %arg7[%add3A_285, %dma_start3A_286] : memref<128x64xf32, #tpu.memory_space<vmem>> -> memref<1x64xf32, #tpu.memory_space<vmem>>
      %dma_start3A_288 = arith.constant 0 : i32
      %dma_start3A_289 = tpu.memref_slice %arg3[%squeeze3A_281, %dma_start3A_288] : memref<100000x64xf32, #tpu.memory_space<hbm>> -> memref<1x64xf32, #tpu.memory_space<hbm>>
      %dma_start3A_290 = arith.constant 0 : i32
      %dma_start3A_291 = tpu.memref_slice %arg7[%add3A_285, %dma_start3A_290] : memref<128x64xf32, #tpu.memory_space<vmem>> -> memref<1x64xf32, #tpu.memory_space<vmem>>
      %dma_start3A_292 = arith.constant 0 : i32
      %dma_start3A_293 = tpu.memref_slice %arg3[%squeeze3A_281, %dma_start3A_292] : memref<100000x64xf32, #tpu.memory_space<hbm>> -> memref<1x64xf32, #tpu.memory_space<hbm>>
      tpu.enqueue_dma source(%dma_start3A_293 : memref<1x64xf32, #tpu.memory_space<hbm>>) target(%dma_start3A_291 : memref<1x64xf32, #tpu.memory_space<vmem>>) target_semaphore(%arg11 : memref<!tpu.dma_semaphore, #tpu.memory_space<semaphore_mem>>)
      %slice3A_294 = vector.extract_strided_slice %get3A_99 {offsets = [14], sizes = [1], strides = [1]} : vector<16xi32> to vector<1xi32>
      %squeeze3A_295 = vector.extract %slice3A_294[0] : i32 from vector<1xi32>
      %mul3A_296 = arith.constant 16 : i32
      %mul3A_297 = arith.muli %scan3A_92, %mul3A_296 : i32
      %add3A_298 = arith.constant 14 : i32
      %add3A_299 = arith.addi %mul3A_297, %add3A_298 : i32
      %dma_start3A_300 = arith.constant 0 : i32
      %dma_start3A_301 = tpu.memref_slice %arg7[%add3A_299, %dma_start3A_300] : memref<128x64xf32, #tpu.memory_space<vmem>> -> memref<1x64xf32, #tpu.memory_space<vmem>>
      %dma_start3A_302 = arith.constant 0 : i32
      %dma_start3A_303 = tpu.memref_slice %arg3[%squeeze3A_295, %dma_start3A_302] : memref<100000x64xf32, #tpu.memory_space<hbm>> -> memref<1x64xf32, #tpu.memory_space<hbm>>
      %dma_start3A_304 = arith.constant 0 : i32
      %dma_start3A_305 = tpu.memref_slice %arg7[%add3A_299, %dma_start3A_304] : memref<128x64xf32, #tpu.memory_space<vmem>> -> memref<1x64xf32, #tpu.memory_space<vmem>>
      %dma_start3A_306 = arith.constant 0 : i32
      %dma_start3A_307 = tpu.memref_slice %arg3[%squeeze3A_295, %dma_start3A_306] : memref<100000x64xf32, #tpu.memory_space<hbm>> -> memref<1x64xf32, #tpu.memory_space<hbm>>
      tpu.enqueue_dma source(%dma_start3A_307 : memref<1x64xf32, #tpu.memory_space<hbm>>) target(%dma_start3A_305 : memref<1x64xf32, #tpu.memory_space<vmem>>) target_semaphore(%arg11 : memref<!tpu.dma_semaphore, #tpu.memory_space<semaphore_mem>>)
      %slice3A_308 = vector.extract_strided_slice %get3A_99 {offsets = [15], sizes = [1], strides = [1]} : vector<16xi32> to vector<1xi32>
      %squeeze3A_309 = vector.extract %slice3A_308[0] : i32 from vector<1xi32>
      %mul3A_310 = arith.constant 16 : i32
      %mul3A_311 = arith.muli %scan3A_92, %mul3A_310 : i32
      %add3A_312 = arith.constant 15 : i32
      %add3A_313 = arith.addi %mul3A_311, %add3A_312 : i32
      %dma_start3A_314 = arith.constant 0 : i32
      %dma_start3A_315 = tpu.memref_slice %arg7[%add3A_313, %dma_start3A_314] : memref<128x64xf32, #tpu.memory_space<vmem>> -> memref<1x64xf32, #tpu.memory_space<vmem>>
      %dma_start3A_316 = arith.constant 0 : i32
      %dma_start3A_317 = tpu.memref_slice %arg3[%squeeze3A_309, %dma_start3A_316] : memref<100000x64xf32, #tpu.memory_space<hbm>> -> memref<1x64xf32, #tpu.memory_space<hbm>>
      %dma_start3A_318 = arith.constant 0 : i32
      %dma_start3A_319 = tpu.memref_slice %arg7[%add3A_313, %dma_start3A_318] : memref<128x64xf32, #tpu.memory_space<vmem>> -> memref<1x64xf32, #tpu.memory_space<vmem>>
      %dma_start3A_320 = arith.constant 0 : i32
      %dma_start3A_321 = tpu.memref_slice %arg3[%squeeze3A_309, %dma_start3A_320] : memref<100000x64xf32, #tpu.memory_space<hbm>> -> memref<1x64xf32, #tpu.memory_space<hbm>>
      tpu.enqueue_dma source(%dma_start3A_321 : memref<1x64xf32, #tpu.memory_space<hbm>>) target(%dma_start3A_319 : memref<1x64xf32, #tpu.memory_space<vmem>>) target_semaphore(%arg11 : memref<!tpu.dma_semaphore, #tpu.memory_space<semaphore_mem>>)
      %scan3A_322 = arith.constant 0 : i32
      scf.yield %scan3A_322 : i32
    }
    %scan3A_15 = arith.constant 8 : i32
    %scan3A_16 = arith.constant 0 : i32
    %scan3A_17 = arith.constant 0 : i32
    %scan3A_18 = arith.constant 8 : i32
    %scan3A_19 = arith.addi %scan3A_17, %scan3A_18 : i32
    %scan3A_20 = arith.constant 1 : i32
    %scan3A_21 = scf.for %scan3A_92 = %scan3A_17 to %scan3A_19 step %scan3A_20 iter_args(%scan3A_93 = %scan3A_16) -> (i32)  : i32 {
      %mul3A_94 = arith.constant 16 : i32
      %mul3A_95 = arith.muli %scan3A_92, %mul3A_94 : i32
      %add3A_96 = arith.constant 256 : i32
      %add3A_97 = arith.addi %add3A_96, %mul3A_95 : i32
      %get3A = arith.index_cast %add3A_97 : i32 to index
      %get3A_98 = tpu.vector_load %arg5[%get3A] {strides = array<i32>} : memref<512xi32, #tpu.memory_space<vmem>>, vector<16xi32>,
      %get3A_99 = vector.shape_cast %get3A_98 : vector<16xi32> to vector<16xi32>
      %slice3A = vector.extract_strided_slice %get3A_99 {offsets = [0], sizes = [1], strides = [1]} : vector<16xi32> to vector<1xi32>
      %squeeze3A = vector.extract %slice3A[0] : i32 from vector<1xi32>
      %mul3A_100 = arith.constant 16 : i32
      %mul3A_101 = arith.muli %scan3A_92, %mul3A_100 : i32
      %add3A_102 = arith.constant 0 : i32
      %add3A_103 = arith.addi %mul3A_101, %add3A_102 : i32
      %dma_start3A_104 = arith.constant 0 : i32
      %dma_start3A_105 = tpu.memref_slice %arg8[%add3A_103, %dma_start3A_104] : memref<128x64xf32, #tpu.memory_space<vmem>> -> memref<1x64xf32, #tpu.memory_space<vmem>>
      %dma_start3A_106 = arith.constant 0 : i32
      %dma_start3A_107 = tpu.memref_slice %arg3[%squeeze3A, %dma_start3A_106] : memref<100000x64xf32, #tpu.memory_space<hbm>> -> memref<1x64xf32, #tpu.memory_space<hbm>>
      %dma_start3A_108 = arith.constant 0 : i32
      %dma_start3A_109 = tpu.memref_slice %arg8[%add3A_103, %dma_start3A_108] : memref<128x64xf32, #tpu.memory_space<vmem>> -> memref<1x64xf32, #tpu.memory_space<vmem>>
      %dma_start3A_110 = arith.constant 0 : i32
      %dma_start3A_111 = tpu.memref_slice %arg3[%squeeze3A, %dma_start3A_110] : memref<100000x64xf32, #tpu.memory_space<hbm>> -> memref<1x64xf32, #tpu.memory_space<hbm>>
      tpu.enqueue_dma source(%dma_start3A_111 : memref<1x64xf32, #tpu.memory_space<hbm>>) target(%dma_start3A_109 : memref<1x64xf32, #tpu.memory_space<vmem>>) target_semaphore(%arg12 : memref<!tpu.dma_semaphore, #tpu.memory_space<semaphore_mem>>)
      %slice3A_112 = vector.extract_strided_slice %get3A_99 {offsets = [1], sizes = [1], strides = [1]} : vector<16xi32> to vector<1xi32>
      %squeeze3A_113 = vector.extract %slice3A_112[0] : i32 from vector<1xi32>
      %mul3A_114 = arith.constant 16 : i32
      %mul3A_115 = arith.muli %scan3A_92, %mul3A_114 : i32
      %add3A_116 = arith.constant 1 : i32
      %add3A_117 = arith.addi %mul3A_115, %add3A_116 : i32
      %dma_start3A_118 = arith.constant 0 : i32
      %dma_start3A_119 = tpu.memref_slice %arg8[%add3A_117, %dma_start3A_118] : memref<128x64xf32, #tpu.memory_space<vmem>> -> memref<1x64xf32, #tpu.memory_space<vmem>>
      %dma_start3A_120 = arith.constant 0 : i32
      %dma_start3A_121 = tpu.memref_slice %arg3[%squeeze3A_113, %dma_start3A_120] : memref<100000x64xf32, #tpu.memory_space<hbm>> -> memref<1x64xf32, #tpu.memory_space<hbm>>
      %dma_start3A_122 = arith.constant 0 : i32
      %dma_start3A_123 = tpu.memref_slice %arg8[%add3A_117, %dma_start3A_122] : memref<128x64xf32, #tpu.memory_space<vmem>> -> memref<1x64xf32, #tpu.memory_space<vmem>>
      %dma_start3A_124 = arith.constant 0 : i32
      %dma_start3A_125 = tpu.memref_slice %arg3[%squeeze3A_113, %dma_start3A_124] : memref<100000x64xf32, #tpu.memory_space<hbm>> -> memref<1x64xf32, #tpu.memory_space<hbm>>
      tpu.enqueue_dma source(%dma_start3A_125 : memref<1x64xf32, #tpu.memory_space<hbm>>) target(%dma_start3A_123 : memref<1x64xf32, #tpu.memory_space<vmem>>) target_semaphore(%arg12 : memref<!tpu.dma_semaphore, #tpu.memory_space<semaphore_mem>>)
      %slice3A_126 = vector.extract_strided_slice %get3A_99 {offsets = [2], sizes = [1], strides = [1]} : vector<16xi32> to vector<1xi32>
      %squeeze3A_127 = vector.extract %slice3A_126[0] : i32 from vector<1xi32>
      %mul3A_128 = arith.constant 16 : i32
      %mul3A_129 = arith.muli %scan3A_92, %mul3A_128 : i32
      %add3A_130 = arith.constant 2 : i32
      %add3A_131 = arith.addi %mul3A_129, %add3A_130 : i32
      %dma_start3A_132 = arith.constant 0 : i32
      %dma_start3A_133 = tpu.memref_slice %arg8[%add3A_131, %dma_start3A_132] : memref<128x64xf32, #tpu.memory_space<vmem>> -> memref<1x64xf32, #tpu.memory_space<vmem>>
      %dma_start3A_134 = arith.constant 0 : i32
      %dma_start3A_135 = tpu.memref_slice %arg3[%squeeze3A_127, %dma_start3A_134] : memref<100000x64xf32, #tpu.memory_space<hbm>> -> memref<1x64xf32, #tpu.memory_space<hbm>>
      %dma_start3A_136 = arith.constant 0 : i32
      %dma_start3A_137 = tpu.memref_slice %arg8[%add3A_131, %dma_start3A_136] : memref<128x64xf32, #tpu.memory_space<vmem>> -> memref<1x64xf32, #tpu.memory_space<vmem>>
      %dma_start3A_138 = arith.constant 0 : i32
      %dma_start3A_139 = tpu.memref_slice %arg3[%squeeze3A_127, %dma_start3A_138] : memref<100000x64xf32, #tpu.memory_space<hbm>> -> memref<1x64xf32, #tpu.memory_space<hbm>>
      tpu.enqueue_dma source(%dma_start3A_139 : memref<1x64xf32, #tpu.memory_space<hbm>>) target(%dma_start3A_137 : memref<1x64xf32, #tpu.memory_space<vmem>>) target_semaphore(%arg12 : memref<!tpu.dma_semaphore, #tpu.memory_space<semaphore_mem>>)
      %slice3A_140 = vector.extract_strided_slice %get3A_99 {offsets = [3], sizes = [1], strides = [1]} : vector<16xi32> to vector<1xi32>
      %squeeze3A_141 = vector.extract %slice3A_140[0] : i32 from vector<1xi32>
      %mul3A_142 = arith.constant 16 : i32
      %mul3A_143 = arith.muli %scan3A_92, %mul3A_142 : i32
      %add3A_144 = arith.constant 3 : i32
      %add3A_145 = arith.addi %mul3A_143, %add3A_144 : i32
      %dma_start3A_146 = arith.constant 0 : i32
      %dma_start3A_147 = tpu.memref_slice %arg8[%add3A_145, %dma_start3A_146] : memref<128x64xf32, #tpu.memory_space<vmem>> -> memref<1x64xf32, #tpu.memory_space<vmem>>
      %dma_start3A_148 = arith.constant 0 : i32
      %dma_start3A_149 = tpu.memref_slice %arg3[%squeeze3A_141, %dma_start3A_148] : memref<100000x64xf32, #tpu.memory_space<hbm>> -> memref<1x64xf32, #tpu.memory_space<hbm>>
      %dma_start3A_150 = arith.constant 0 : i32
      %dma_start3A_151 = tpu.memref_slice %arg8[%add3A_145, %dma_start3A_150] : memref<128x64xf32, #tpu.memory_space<vmem>> -> memref<1x64xf32, #tpu.memory_space<vmem>>
      %dma_start3A_152 = arith.constant 0 : i32
      %dma_start3A_153 = tpu.memref_slice %arg3[%squeeze3A_141, %dma_start3A_152] : memref<100000x64xf32, #tpu.memory_space<hbm>> -> memref<1x64xf32, #tpu.memory_space<hbm>>
      tpu.enqueue_dma source(%dma_start3A_153 : memref<1x64xf32, #tpu.memory_space<hbm>>) target(%dma_start3A_151 : memref<1x64xf32, #tpu.memory_space<vmem>>) target_semaphore(%arg12 : memref<!tpu.dma_semaphore, #tpu.memory_space<semaphore_mem>>)
      %slice3A_154 = vector.extract_strided_slice %get3A_99 {offsets = [4], sizes = [1], strides = [1]} : vector<16xi32> to vector<1xi32>
      %squeeze3A_155 = vector.extract %slice3A_154[0] : i32 from vector<1xi32>
      %mul3A_156 = arith.constant 16 : i32
      %mul3A_157 = arith.muli %scan3A_92, %mul3A_156 : i32
      %add3A_158 = arith.constant 4 : i32
      %add3A_159 = arith.addi %mul3A_157, %add3A_158 : i32
      %dma_start3A_160 = arith.constant 0 : i32
      %dma_start3A_161 = tpu.memref_slice %arg8[%add3A_159, %dma_start3A_160] : memref<128x64xf32, #tpu.memory_space<vmem>> -> memref<1x64xf32, #tpu.memory_space<vmem>>
      %dma_start3A_162 = arith.constant 0 : i32
      %dma_start3A_163 = tpu.memref_slice %arg3[%squeeze3A_155, %dma_start3A_162] : memref<100000x64xf32, #tpu.memory_space<hbm>> -> memref<1x64xf32, #tpu.memory_space<hbm>>
      %dma_start3A_164 = arith.constant 0 : i32
      %dma_start3A_165 = tpu.memref_slice %arg8[%add3A_159, %dma_start3A_164] : memref<128x64xf32, #tpu.memory_space<vmem>> -> memref<1x64xf32, #tpu.memory_space<vmem>>
      %dma_start3A_166 = arith.constant 0 : i32
      %dma_start3A_167 = tpu.memref_slice %arg3[%squeeze3A_155, %dma_start3A_166] : memref<100000x64xf32, #tpu.memory_space<hbm>> -> memref<1x64xf32, #tpu.memory_space<hbm>>
      tpu.enqueue_dma source(%dma_start3A_167 : memref<1x64xf32, #tpu.memory_space<hbm>>) target(%dma_start3A_165 : memref<1x64xf32, #tpu.memory_space<vmem>>) target_semaphore(%arg12 : memref<!tpu.dma_semaphore, #tpu.memory_space<semaphore_mem>>)
      %slice3A_168 = vector.extract_strided_slice %get3A_99 {offsets = [5], sizes = [1], strides = [1]} : vector<16xi32> to vector<1xi32>
      %squeeze3A_169 = vector.extract %slice3A_168[0] : i32 from vector<1xi32>
      %mul3A_170 = arith.constant 16 : i32
      %mul3A_171 = arith.muli %scan3A_92, %mul3A_170 : i32
      %add3A_172 = arith.constant 5 : i32
      %add3A_173 = arith.addi %mul3A_171, %add3A_172 : i32
      %dma_start3A_174 = arith.constant 0 : i32
      %dma_start3A_175 = tpu.memref_slice %arg8[%add3A_173, %dma_start3A_174] : memref<128x64xf32, #tpu.memory_space<vmem>> -> memref<1x64xf32, #tpu.memory_space<vmem>>
      %dma_start3A_176 = arith.constant 0 : i32
      %dma_start3A_177 = tpu.memref_slice %arg3[%squeeze3A_169, %dma_start3A_176] : memref<100000x64xf32, #tpu.memory_space<hbm>> -> memref<1x64xf32, #tpu.memory_space<hbm>>
      %dma_start3A_178 = arith.constant 0 : i32
      %dma_start3A_179 = tpu.memref_slice %arg8[%add3A_173, %dma_start3A_178] : memref<128x64xf32, #tpu.memory_space<vmem>> -> memref<1x64xf32, #tpu.memory_space<vmem>>
      %dma_start3A_180 = arith.constant 0 : i32
      %dma_start3A_181 = tpu.memref_slice %arg3[%squeeze3A_169, %dma_start3A_180] : memref<100000x64xf32, #tpu.memory_space<hbm>> -> memref<1x64xf32, #tpu.memory_space<hbm>>
      tpu.enqueue_dma source(%dma_start3A_181 : memref<1x64xf32, #tpu.memory_space<hbm>>) target(%dma_start3A_179 : memref<1x64xf32, #tpu.memory_space<vmem>>) target_semaphore(%arg12 : memref<!tpu.dma_semaphore, #tpu.memory_space<semaphore_mem>>)
      %slice3A_182 = vector.extract_strided_slice %get3A_99 {offsets = [6], sizes = [1], strides = [1]} : vector<16xi32> to vector<1xi32>
      %squeeze3A_183 = vector.extract %slice3A_182[0] : i32 from vector<1xi32>
      %mul3A_184 = arith.constant 16 : i32
      %mul3A_185 = arith.muli %scan3A_92, %mul3A_184 : i32
      %add3A_186 = arith.constant 6 : i32
      %add3A_187 = arith.addi %mul3A_185, %add3A_186 : i32
      %dma_start3A_188 = arith.constant 0 : i32
      %dma_start3A_189 = tpu.memref_slice %arg8[%add3A_187, %dma_start3A_188] : memref<128x64xf32, #tpu.memory_space<vmem>> -> memref<1x64xf32, #tpu.memory_space<vmem>>
      %dma_start3A_190 = arith.constant 0 : i32
      %dma_start3A_191 = tpu.memref_slice %arg3[%squeeze3A_183, %dma_start3A_190] : memref<100000x64xf32, #tpu.memory_space<hbm>> -> memref<1x64xf32, #tpu.memory_space<hbm>>
      %dma_start3A_192 = arith.constant 0 : i32
      %dma_start3A_193 = tpu.memref_slice %arg8[%add3A_187, %dma_start3A_192] : memref<128x64xf32, #tpu.memory_space<vmem>> -> memref<1x64xf32, #tpu.memory_space<vmem>>
      %dma_start3A_194 = arith.constant 0 : i32
      %dma_start3A_195 = tpu.memref_slice %arg3[%squeeze3A_183, %dma_start3A_194] : memref<100000x64xf32, #tpu.memory_space<hbm>> -> memref<1x64xf32, #tpu.memory_space<hbm>>
      tpu.enqueue_dma source(%dma_start3A_195 : memref<1x64xf32, #tpu.memory_space<hbm>>) target(%dma_start3A_193 : memref<1x64xf32, #tpu.memory_space<vmem>>) target_semaphore(%arg12 : memref<!tpu.dma_semaphore, #tpu.memory_space<semaphore_mem>>)
      %slice3A_196 = vector.extract_strided_slice %get3A_99 {offsets = [7], sizes = [1], strides = [1]} : vector<16xi32> to vector<1xi32>
      %squeeze3A_197 = vector.extract %slice3A_196[0] : i32 from vector<1xi32>
      %mul3A_198 = arith.constant 16 : i32
      %mul3A_199 = arith.muli %scan3A_92, %mul3A_198 : i32
      %add3A_200 = arith.constant 7 : i32
      %add3A_201 = arith.addi %mul3A_199, %add3A_200 : i32
      %dma_start3A_202 = arith.constant 0 : i32
      %dma_start3A_203 = tpu.memref_slice %arg8[%add3A_201, %dma_start3A_202] : memref<128x64xf32, #tpu.memory_space<vmem>> -> memref<1x64xf32, #tpu.memory_space<vmem>>
      %dma_start3A_204 = arith.constant 0 : i32
      %dma_start3A_205 = tpu.memref_slice %arg3[%squeeze3A_197, %dma_start3A_204] : memref<100000x64xf32, #tpu.memory_space<hbm>> -> memref<1x64xf32, #tpu.memory_space<hbm>>
      %dma_start3A_206 = arith.constant 0 : i32
      %dma_start3A_207 = tpu.memref_slice %arg8[%add3A_201, %dma_start3A_206] : memref<128x64xf32, #tpu.memory_space<vmem>> -> memref<1x64xf32, #tpu.memory_space<vmem>>
      %dma_start3A_208 = arith.constant 0 : i32
      %dma_start3A_209 = tpu.memref_slice %arg3[%squeeze3A_197, %dma_start3A_208] : memref<100000x64xf32, #tpu.memory_space<hbm>> -> memref<1x64xf32, #tpu.memory_space<hbm>>
      tpu.enqueue_dma source(%dma_start3A_209 : memref<1x64xf32, #tpu.memory_space<hbm>>) target(%dma_start3A_207 : memref<1x64xf32, #tpu.memory_space<vmem>>) target_semaphore(%arg12 : memref<!tpu.dma_semaphore, #tpu.memory_space<semaphore_mem>>)
      %slice3A_210 = vector.extract_strided_slice %get3A_99 {offsets = [8], sizes = [1], strides = [1]} : vector<16xi32> to vector<1xi32>
      %squeeze3A_211 = vector.extract %slice3A_210[0] : i32 from vector<1xi32>
      %mul3A_212 = arith.constant 16 : i32
      %mul3A_213 = arith.muli %scan3A_92, %mul3A_212 : i32
      %add3A_214 = arith.constant 8 : i32
      %add3A_215 = arith.addi %mul3A_213, %add3A_214 : i32
      %dma_start3A_216 = arith.constant 0 : i32
      %dma_start3A_217 = tpu.memref_slice %arg8[%add3A_215, %dma_start3A_216] : memref<128x64xf32, #tpu.memory_space<vmem>> -> memref<1x64xf32, #tpu.memory_space<vmem>>
      %dma_start3A_218 = arith.constant 0 : i32
      %dma_start3A_219 = tpu.memref_slice %arg3[%squeeze3A_211, %dma_start3A_218] : memref<100000x64xf32, #tpu.memory_space<hbm>> -> memref<1x64xf32, #tpu.memory_space<hbm>>
      %dma_start3A_220 = arith.constant 0 : i32
      %dma_start3A_221 = tpu.memref_slice %arg8[%add3A_215, %dma_start3A_220] : memref<128x64xf32, #tpu.memory_space<vmem>> -> memref<1x64xf32, #tpu.memory_space<vmem>>
      %dma_start3A_222 = arith.constant 0 : i32
      %dma_start3A_223 = tpu.memref_slice %arg3[%squeeze3A_211, %dma_start3A_222] : memref<100000x64xf32, #tpu.memory_space<hbm>> -> memref<1x64xf32, #tpu.memory_space<hbm>>
      tpu.enqueue_dma source(%dma_start3A_223 : memref<1x64xf32, #tpu.memory_space<hbm>>) target(%dma_start3A_221 : memref<1x64xf32, #tpu.memory_space<vmem>>) target_semaphore(%arg12 : memref<!tpu.dma_semaphore, #tpu.memory_space<semaphore_mem>>)
      %slice3A_224 = vector.extract_strided_slice %get3A_99 {offsets = [9], sizes = [1], strides = [1]} : vector<16xi32> to vector<1xi32>
      %squeeze3A_225 = vector.extract %slice3A_224[0] : i32 from vector<1xi32>
      %mul3A_226 = arith.constant 16 : i32
      %mul3A_227 = arith.muli %scan3A_92, %mul3A_226 : i32
      %add3A_228 = arith.constant 9 : i32
      %add3A_229 = arith.addi %mul3A_227, %add3A_228 : i32
      %dma_start3A_230 = arith.constant 0 : i32
      %dma_start3A_231 = tpu.memref_slice %arg8[%add3A_229, %dma_start3A_230] : memref<128x64xf32, #tpu.memory_space<vmem>> -> memref<1x64xf32, #tpu.memory_space<vmem>>
      %dma_start3A_232 = arith.constant 0 : i32
      %dma_start3A_233 = tpu.memref_slice %arg3[%squeeze3A_225, %dma_start3A_232] : memref<100000x64xf32, #tpu.memory_space<hbm>> -> memref<1x64xf32, #tpu.memory_space<hbm>>
      %dma_start3A_234 = arith.constant 0 : i32
      %dma_start3A_235 = tpu.memref_slice %arg8[%add3A_229, %dma_start3A_234] : memref<128x64xf32, #tpu.memory_space<vmem>> -> memref<1x64xf32, #tpu.memory_space<vmem>>
      %dma_start3A_236 = arith.constant 0 : i32
      %dma_start3A_237 = tpu.memref_slice %arg3[%squeeze3A_225, %dma_start3A_236] : memref<100000x64xf32, #tpu.memory_space<hbm>> -> memref<1x64xf32, #tpu.memory_space<hbm>>
      tpu.enqueue_dma source(%dma_start3A_237 : memref<1x64xf32, #tpu.memory_space<hbm>>) target(%dma_start3A_235 : memref<1x64xf32, #tpu.memory_space<vmem>>) target_semaphore(%arg12 : memref<!tpu.dma_semaphore, #tpu.memory_space<semaphore_mem>>)
      %slice3A_238 = vector.extract_strided_slice %get3A_99 {offsets = [10], sizes = [1], strides = [1]} : vector<16xi32> to vector<1xi32>
      %squeeze3A_239 = vector.extract %slice3A_238[0] : i32 from vector<1xi32>
      %mul3A_240 = arith.constant 16 : i32
      %mul3A_241 = arith.muli %scan3A_92, %mul3A_240 : i32
      %add3A_242 = arith.constant 10 : i32
      %add3A_243 = arith.addi %mul3A_241, %add3A_242 : i32
      %dma_start3A_244 = arith.constant 0 : i32
      %dma_start3A_245 = tpu.memref_slice %arg8[%add3A_243, %dma_start3A_244] : memref<128x64xf32, #tpu.memory_space<vmem>> -> memref<1x64xf32, #tpu.memory_space<vmem>>
      %dma_start3A_246 = arith.constant 0 : i32
      %dma_start3A_247 = tpu.memref_slice %arg3[%squeeze3A_239, %dma_start3A_246] : memref<100000x64xf32, #tpu.memory_space<hbm>> -> memref<1x64xf32, #tpu.memory_space<hbm>>
      %dma_start3A_248 = arith.constant 0 : i32
      %dma_start3A_249 = tpu.memref_slice %arg8[%add3A_243, %dma_start3A_248] : memref<128x64xf32, #tpu.memory_space<vmem>> -> memref<1x64xf32, #tpu.memory_space<vmem>>
      %dma_start3A_250 = arith.constant 0 : i32
      %dma_start3A_251 = tpu.memref_slice %arg3[%squeeze3A_239, %dma_start3A_250] : memref<100000x64xf32, #tpu.memory_space<hbm>> -> memref<1x64xf32, #tpu.memory_space<hbm>>
      tpu.enqueue_dma source(%dma_start3A_251 : memref<1x64xf32, #tpu.memory_space<hbm>>) target(%dma_start3A_249 : memref<1x64xf32, #tpu.memory_space<vmem>>) target_semaphore(%arg12 : memref<!tpu.dma_semaphore, #tpu.memory_space<semaphore_mem>>)
      %slice3A_252 = vector.extract_strided_slice %get3A_99 {offsets = [11], sizes = [1], strides = [1]} : vector<16xi32> to vector<1xi32>
      %squeeze3A_253 = vector.extract %slice3A_252[0] : i32 from vector<1xi32>
      %mul3A_254 = arith.constant 16 : i32
      %mul3A_255 = arith.muli %scan3A_92, %mul3A_254 : i32
      %add3A_256 = arith.constant 11 : i32
      %add3A_257 = arith.addi %mul3A_255, %add3A_256 : i32
      %dma_start3A_258 = arith.constant 0 : i32
      %dma_start3A_259 = tpu.memref_slice %arg8[%add3A_257, %dma_start3A_258] : memref<128x64xf32, #tpu.memory_space<vmem>> -> memref<1x64xf32, #tpu.memory_space<vmem>>
      %dma_start3A_260 = arith.constant 0 : i32
      %dma_start3A_261 = tpu.memref_slice %arg3[%squeeze3A_253, %dma_start3A_260] : memref<100000x64xf32, #tpu.memory_space<hbm>> -> memref<1x64xf32, #tpu.memory_space<hbm>>
      %dma_start3A_262 = arith.constant 0 : i32
      %dma_start3A_263 = tpu.memref_slice %arg8[%add3A_257, %dma_start3A_262] : memref<128x64xf32, #tpu.memory_space<vmem>> -> memref<1x64xf32, #tpu.memory_space<vmem>>
      %dma_start3A_264 = arith.constant 0 : i32
      %dma_start3A_265 = tpu.memref_slice %arg3[%squeeze3A_253, %dma_start3A_264] : memref<100000x64xf32, #tpu.memory_space<hbm>> -> memref<1x64xf32, #tpu.memory_space<hbm>>
      tpu.enqueue_dma source(%dma_start3A_265 : memref<1x64xf32, #tpu.memory_space<hbm>>) target(%dma_start3A_263 : memref<1x64xf32, #tpu.memory_space<vmem>>) target_semaphore(%arg12 : memref<!tpu.dma_semaphore, #tpu.memory_space<semaphore_mem>>)
      %slice3A_266 = vector.extract_strided_slice %get3A_99 {offsets = [12], sizes = [1], strides = [1]} : vector<16xi32> to vector<1xi32>
      %squeeze3A_267 = vector.extract %slice3A_266[0] : i32 from vector<1xi32>
      %mul3A_268 = arith.constant 16 : i32
      %mul3A_269 = arith.muli %scan3A_92, %mul3A_268 : i32
      %add3A_270 = arith.constant 12 : i32
      %add3A_271 = arith.addi %mul3A_269, %add3A_270 : i32
      %dma_start3A_272 = arith.constant 0 : i32
      %dma_start3A_273 = tpu.memref_slice %arg8[%add3A_271, %dma_start3A_272] : memref<128x64xf32, #tpu.memory_space<vmem>> -> memref<1x64xf32, #tpu.memory_space<vmem>>
      %dma_start3A_274 = arith.constant 0 : i32
      %dma_start3A_275 = tpu.memref_slice %arg3[%squeeze3A_267, %dma_start3A_274] : memref<100000x64xf32, #tpu.memory_space<hbm>> -> memref<1x64xf32, #tpu.memory_space<hbm>>
      %dma_start3A_276 = arith.constant 0 : i32
      %dma_start3A_277 = tpu.memref_slice %arg8[%add3A_271, %dma_start3A_276] : memref<128x64xf32, #tpu.memory_space<vmem>> -> memref<1x64xf32, #tpu.memory_space<vmem>>
      %dma_start3A_278 = arith.constant 0 : i32
      %dma_start3A_279 = tpu.memref_slice %arg3[%squeeze3A_267, %dma_start3A_278] : memref<100000x64xf32, #tpu.memory_space<hbm>> -> memref<1x64xf32, #tpu.memory_space<hbm>>
      tpu.enqueue_dma source(%dma_start3A_279 : memref<1x64xf32, #tpu.memory_space<hbm>>) target(%dma_start3A_277 : memref<1x64xf32, #tpu.memory_space<vmem>>) target_semaphore(%arg12 : memref<!tpu.dma_semaphore, #tpu.memory_space<semaphore_mem>>)
      %slice3A_280 = vector.extract_strided_slice %get3A_99 {offsets = [13], sizes = [1], strides = [1]} : vector<16xi32> to vector<1xi32>
      %squeeze3A_281 = vector.extract %slice3A_280[0] : i32 from vector<1xi32>
      %mul3A_282 = arith.constant 16 : i32
      %mul3A_283 = arith.muli %scan3A_92, %mul3A_282 : i32
      %add3A_284 = arith.constant 13 : i32
      %add3A_285 = arith.addi %mul3A_283, %add3A_284 : i32
      %dma_start3A_286 = arith.constant 0 : i32
      %dma_start3A_287 = tpu.memref_slice %arg8[%add3A_285, %dma_start3A_286] : memref<128x64xf32, #tpu.memory_space<vmem>> -> memref<1x64xf32, #tpu.memory_space<vmem>>
      %dma_start3A_288 = arith.constant 0 : i32
      %dma_start3A_289 = tpu.memref_slice %arg3[%squeeze3A_281, %dma_start3A_288] : memref<100000x64xf32, #tpu.memory_space<hbm>> -> memref<1x64xf32, #tpu.memory_space<hbm>>
      %dma_start3A_290 = arith.constant 0 : i32
      %dma_start3A_291 = tpu.memref_slice %arg8[%add3A_285, %dma_start3A_290] : memref<128x64xf32, #tpu.memory_space<vmem>> -> memref<1x64xf32, #tpu.memory_space<vmem>>
      %dma_start3A_292 = arith.constant 0 : i32
      %dma_start3A_293 = tpu.memref_slice %arg3[%squeeze3A_281, %dma_start3A_292] : memref<100000x64xf32, #tpu.memory_space<hbm>> -> memref<1x64xf32, #tpu.memory_space<hbm>>
      tpu.enqueue_dma source(%dma_start3A_293 : memref<1x64xf32, #tpu.memory_space<hbm>>) target(%dma_start3A_291 : memref<1x64xf32, #tpu.memory_space<vmem>>) target_semaphore(%arg12 : memref<!tpu.dma_semaphore, #tpu.memory_space<semaphore_mem>>)
      %slice3A_294 = vector.extract_strided_slice %get3A_99 {offsets = [14], sizes = [1], strides = [1]} : vector<16xi32> to vector<1xi32>
      %squeeze3A_295 = vector.extract %slice3A_294[0] : i32 from vector<1xi32>
      %mul3A_296 = arith.constant 16 : i32
      %mul3A_297 = arith.muli %scan3A_92, %mul3A_296 : i32
      %add3A_298 = arith.constant 14 : i32
      %add3A_299 = arith.addi %mul3A_297, %add3A_298 : i32
      %dma_start3A_300 = arith.constant 0 : i32
      %dma_start3A_301 = tpu.memref_slice %arg8[%add3A_299, %dma_start3A_300] : memref<128x64xf32, #tpu.memory_space<vmem>> -> memref<1x64xf32, #tpu.memory_space<vmem>>
      %dma_start3A_302 = arith.constant 0 : i32
      %dma_start3A_303 = tpu.memref_slice %arg3[%squeeze3A_295, %dma_start3A_302] : memref<100000x64xf32, #tpu.memory_space<hbm>> -> memref<1x64xf32, #tpu.memory_space<hbm>>
      %dma_start3A_304 = arith.constant 0 : i32
      %dma_start3A_305 = tpu.memref_slice %arg8[%add3A_299, %dma_start3A_304] : memref<128x64xf32, #tpu.memory_space<vmem>> -> memref<1x64xf32, #tpu.memory_space<vmem>>
      %dma_start3A_306 = arith.constant 0 : i32
      %dma_start3A_307 = tpu.memref_slice %arg3[%squeeze3A_295, %dma_start3A_306] : memref<100000x64xf32, #tpu.memory_space<hbm>> -> memref<1x64xf32, #tpu.memory_space<hbm>>
      tpu.enqueue_dma source(%dma_start3A_307 : memref<1x64xf32, #tpu.memory_space<hbm>>) target(%dma_start3A_305 : memref<1x64xf32, #tpu.memory_space<vmem>>) target_semaphore(%arg12 : memref<!tpu.dma_semaphore, #tpu.memory_space<semaphore_mem>>)
      %slice3A_308 = vector.extract_strided_slice %get3A_99 {offsets = [15], sizes = [1], strides = [1]} : vector<16xi32> to vector<1xi32>
      %squeeze3A_309 = vector.extract %slice3A_308[0] : i32 from vector<1xi32>
      %mul3A_310 = arith.constant 16 : i32
      %mul3A_311 = arith.muli %scan3A_92, %mul3A_310 : i32
      %add3A_312 = arith.constant 15 : i32
      %add3A_313 = arith.addi %mul3A_311, %add3A_312 : i32
      %dma_start3A_314 = arith.constant 0 : i32
      %dma_start3A_315 = tpu.memref_slice %arg8[%add3A_313, %dma_start3A_314] : memref<128x64xf32, #tpu.memory_space<vmem>> -> memref<1x64xf32, #tpu.memory_space<vmem>>
      %dma_start3A_316 = arith.constant 0 : i32
      %dma_start3A_317 = tpu.memref_slice %arg3[%squeeze3A_309, %dma_start3A_316] : memref<100000x64xf32, #tpu.memory_space<hbm>> -> memref<1x64xf32, #tpu.memory_space<hbm>>
      %dma_start3A_318 = arith.constant 0 : i32
      %dma_start3A_319 = tpu.memref_slice %arg8[%add3A_313, %dma_start3A_318] : memref<128x64xf32, #tpu.memory_space<vmem>> -> memref<1x64xf32, #tpu.memory_space<vmem>>
      %dma_start3A_320 = arith.constant 0 : i32
      %dma_start3A_321 = tpu.memref_slice %arg3[%squeeze3A_309, %dma_start3A_320] : memref<100000x64xf32, #tpu.memory_space<hbm>> -> memref<1x64xf32, #tpu.memory_space<hbm>>
      tpu.enqueue_dma source(%dma_start3A_321 : memref<1x64xf32, #tpu.memory_space<hbm>>) target(%dma_start3A_319 : memref<1x64xf32, #tpu.memory_space<vmem>>) target_semaphore(%arg12 : memref<!tpu.dma_semaphore, #tpu.memory_space<semaphore_mem>>)
      %scan3A_322 = arith.constant 0 : i32
      scf.yield %scan3A_322 : i32
    }
    %scan3A_22 = arith.constant 8 : i32
    %scan3A_23 = arith.constant 0 : i32
    %scan3A_24 = arith.constant 0 : i32
    %scan3A_25 = arith.constant 8 : i32
    %scan3A_26 = arith.addi %scan3A_24, %scan3A_25 : i32
    %scan3A_27 = arith.constant 1 : i32
    %scan3A_28 = scf.for %scan3A_92 = %scan3A_24 to %scan3A_26 step %scan3A_27 iter_args(%scan3A_93 = %scan3A_23) -> (i32)  : i32 {
      %mul3A_94 = arith.constant 16 : i32
      %mul3A_95 = arith.muli %scan3A_92, %mul3A_94 : i32
      %add3A_96 = arith.constant 384 : i32
      %add3A_97 = arith.addi %add3A_96, %mul3A_95 : i32
      %get3A = arith.index_cast %add3A_97 : i32 to index
      %get3A_98 = tpu.vector_load %arg5[%get3A] {strides = array<i32>} : memref<512xi32, #tpu.memory_space<vmem>>, vector<16xi32>,
      %get3A_99 = vector.shape_cast %get3A_98 : vector<16xi32> to vector<16xi32>
      %slice3A = vector.extract_strided_slice %get3A_99 {offsets = [0], sizes = [1], strides = [1]} : vector<16xi32> to vector<1xi32>
      %squeeze3A = vector.extract %slice3A[0] : i32 from vector<1xi32>
      %mul3A_100 = arith.constant 16 : i32
      %mul3A_101 = arith.muli %scan3A_92, %mul3A_100 : i32
      %add3A_102 = arith.constant 0 : i32
      %add3A_103 = arith.addi %mul3A_101, %add3A_102 : i32
      %dma_start3A_104 = arith.constant 0 : i32
      %dma_start3A_105 = tpu.memref_slice %arg9[%add3A_103, %dma_start3A_104] : memref<128x64xf32, #tpu.memory_space<vmem>> -> memref<1x64xf32, #tpu.memory_space<vmem>>
      %dma_start3A_106 = arith.constant 0 : i32
      %dma_start3A_107 = tpu.memref_slice %arg3[%squeeze3A, %dma_start3A_106] : memref<100000x64xf32, #tpu.memory_space<hbm>> -> memref<1x64xf32, #tpu.memory_space<hbm>>
      %dma_start3A_108 = arith.constant 0 : i32
      %dma_start3A_109 = tpu.memref_slice %arg9[%add3A_103, %dma_start3A_108] : memref<128x64xf32, #tpu.memory_space<vmem>> -> memref<1x64xf32, #tpu.memory_space<vmem>>
      %dma_start3A_110 = arith.constant 0 : i32
      %dma_start3A_111 = tpu.memref_slice %arg3[%squeeze3A, %dma_start3A_110] : memref<100000x64xf32, #tpu.memory_space<hbm>> -> memref<1x64xf32, #tpu.memory_space<hbm>>
      tpu.enqueue_dma source(%dma_start3A_111 : memref<1x64xf32, #tpu.memory_space<hbm>>) target(%dma_start3A_109 : memref<1x64xf32, #tpu.memory_space<vmem>>) target_semaphore(%arg13 : memref<!tpu.dma_semaphore, #tpu.memory_space<semaphore_mem>>)
      %slice3A_112 = vector.extract_strided_slice %get3A_99 {offsets = [1], sizes = [1], strides = [1]} : vector<16xi32> to vector<1xi32>
      %squeeze3A_113 = vector.extract %slice3A_112[0] : i32 from vector<1xi32>
      %mul3A_114 = arith.constant 16 : i32
      %mul3A_115 = arith.muli %scan3A_92, %mul3A_114 : i32
      %add3A_116 = arith.constant 1 : i32
      %add3A_117 = arith.addi %mul3A_115, %add3A_116 : i32
      %dma_start3A_118 = arith.constant 0 : i32
      %dma_start3A_119 = tpu.memref_slice %arg9[%add3A_117, %dma_start3A_118] : memref<128x64xf32, #tpu.memory_space<vmem>> -> memref<1x64xf32, #tpu.memory_space<vmem>>
      %dma_start3A_120 = arith.constant 0 : i32
      %dma_start3A_121 = tpu.memref_slice %arg3[%squeeze3A_113, %dma_start3A_120] : memref<100000x64xf32, #tpu.memory_space<hbm>> -> memref<1x64xf32, #tpu.memory_space<hbm>>
      %dma_start3A_122 = arith.constant 0 : i32
      %dma_start3A_123 = tpu.memref_slice %arg9[%add3A_117, %dma_start3A_122] : memref<128x64xf32, #tpu.memory_space<vmem>> -> memref<1x64xf32, #tpu.memory_space<vmem>>
      %dma_start3A_124 = arith.constant 0 : i32
      %dma_start3A_125 = tpu.memref_slice %arg3[%squeeze3A_113, %dma_start3A_124] : memref<100000x64xf32, #tpu.memory_space<hbm>> -> memref<1x64xf32, #tpu.memory_space<hbm>>
      tpu.enqueue_dma source(%dma_start3A_125 : memref<1x64xf32, #tpu.memory_space<hbm>>) target(%dma_start3A_123 : memref<1x64xf32, #tpu.memory_space<vmem>>) target_semaphore(%arg13 : memref<!tpu.dma_semaphore, #tpu.memory_space<semaphore_mem>>)
      %slice3A_126 = vector.extract_strided_slice %get3A_99 {offsets = [2], sizes = [1], strides = [1]} : vector<16xi32> to vector<1xi32>
      %squeeze3A_127 = vector.extract %slice3A_126[0] : i32 from vector<1xi32>
      %mul3A_128 = arith.constant 16 : i32
      %mul3A_129 = arith.muli %scan3A_92, %mul3A_128 : i32
      %add3A_130 = arith.constant 2 : i32
      %add3A_131 = arith.addi %mul3A_129, %add3A_130 : i32
      %dma_start3A_132 = arith.constant 0 : i32
      %dma_start3A_133 = tpu.memref_slice %arg9[%add3A_131, %dma_start3A_132] : memref<128x64xf32, #tpu.memory_space<vmem>> -> memref<1x64xf32, #tpu.memory_space<vmem>>
      %dma_start3A_134 = arith.constant 0 : i32
      %dma_start3A_135 = tpu.memref_slice %arg3[%squeeze3A_127, %dma_start3A_134] : memref<100000x64xf32, #tpu.memory_space<hbm>> -> memref<1x64xf32, #tpu.memory_space<hbm>>
      %dma_start3A_136 = arith.constant 0 : i32
      %dma_start3A_137 = tpu.memref_slice %arg9[%add3A_131, %dma_start3A_136] : memref<128x64xf32, #tpu.memory_space<vmem>> -> memref<1x64xf32, #tpu.memory_space<vmem>>
      %dma_start3A_138 = arith.constant 0 : i32
      %dma_start3A_139 = tpu.memref_slice %arg3[%squeeze3A_127, %dma_start3A_138] : memref<100000x64xf32, #tpu.memory_space<hbm>> -> memref<1x64xf32, #tpu.memory_space<hbm>>
      tpu.enqueue_dma source(%dma_start3A_139 : memref<1x64xf32, #tpu.memory_space<hbm>>) target(%dma_start3A_137 : memref<1x64xf32, #tpu.memory_space<vmem>>) target_semaphore(%arg13 : memref<!tpu.dma_semaphore, #tpu.memory_space<semaphore_mem>>)
      %slice3A_140 = vector.extract_strided_slice %get3A_99 {offsets = [3], sizes = [1], strides = [1]} : vector<16xi32> to vector<1xi32>
      %squeeze3A_141 = vector.extract %slice3A_140[0] : i32 from vector<1xi32>
      %mul3A_142 = arith.constant 16 : i32
      %mul3A_143 = arith.muli %scan3A_92, %mul3A_142 : i32
      %add3A_144 = arith.constant 3 : i32
      %add3A_145 = arith.addi %mul3A_143, %add3A_144 : i32
      %dma_start3A_146 = arith.constant 0 : i32
      %dma_start3A_147 = tpu.memref_slice %arg9[%add3A_145, %dma_start3A_146] : memref<128x64xf32, #tpu.memory_space<vmem>> -> memref<1x64xf32, #tpu.memory_space<vmem>>
      %dma_start3A_148 = arith.constant 0 : i32
      %dma_start3A_149 = tpu.memref_slice %arg3[%squeeze3A_141, %dma_start3A_148] : memref<100000x64xf32, #tpu.memory_space<hbm>> -> memref<1x64xf32, #tpu.memory_space<hbm>>
      %dma_start3A_150 = arith.constant 0 : i32
      %dma_start3A_151 = tpu.memref_slice %arg9[%add3A_145, %dma_start3A_150] : memref<128x64xf32, #tpu.memory_space<vmem>> -> memref<1x64xf32, #tpu.memory_space<vmem>>
      %dma_start3A_152 = arith.constant 0 : i32
      %dma_start3A_153 = tpu.memref_slice %arg3[%squeeze3A_141, %dma_start3A_152] : memref<100000x64xf32, #tpu.memory_space<hbm>> -> memref<1x64xf32, #tpu.memory_space<hbm>>
      tpu.enqueue_dma source(%dma_start3A_153 : memref<1x64xf32, #tpu.memory_space<hbm>>) target(%dma_start3A_151 : memref<1x64xf32, #tpu.memory_space<vmem>>) target_semaphore(%arg13 : memref<!tpu.dma_semaphore, #tpu.memory_space<semaphore_mem>>)
      %slice3A_154 = vector.extract_strided_slice %get3A_99 {offsets = [4], sizes = [1], strides = [1]} : vector<16xi32> to vector<1xi32>
      %squeeze3A_155 = vector.extract %slice3A_154[0] : i32 from vector<1xi32>
      %mul3A_156 = arith.constant 16 : i32
      %mul3A_157 = arith.muli %scan3A_92, %mul3A_156 : i32
      %add3A_158 = arith.constant 4 : i32
      %add3A_159 = arith.addi %mul3A_157, %add3A_158 : i32
      %dma_start3A_160 = arith.constant 0 : i32
      %dma_start3A_161 = tpu.memref_slice %arg9[%add3A_159, %dma_start3A_160] : memref<128x64xf32, #tpu.memory_space<vmem>> -> memref<1x64xf32, #tpu.memory_space<vmem>>
      %dma_start3A_162 = arith.constant 0 : i32
      %dma_start3A_163 = tpu.memref_slice %arg3[%squeeze3A_155, %dma_start3A_162] : memref<100000x64xf32, #tpu.memory_space<hbm>> -> memref<1x64xf32, #tpu.memory_space<hbm>>
      %dma_start3A_164 = arith.constant 0 : i32
      %dma_start3A_165 = tpu.memref_slice %arg9[%add3A_159, %dma_start3A_164] : memref<128x64xf32, #tpu.memory_space<vmem>> -> memref<1x64xf32, #tpu.memory_space<vmem>>
      %dma_start3A_166 = arith.constant 0 : i32
      %dma_start3A_167 = tpu.memref_slice %arg3[%squeeze3A_155, %dma_start3A_166] : memref<100000x64xf32, #tpu.memory_space<hbm>> -> memref<1x64xf32, #tpu.memory_space<hbm>>
      tpu.enqueue_dma source(%dma_start3A_167 : memref<1x64xf32, #tpu.memory_space<hbm>>) target(%dma_start3A_165 : memref<1x64xf32, #tpu.memory_space<vmem>>) target_semaphore(%arg13 : memref<!tpu.dma_semaphore, #tpu.memory_space<semaphore_mem>>)
      %slice3A_168 = vector.extract_strided_slice %get3A_99 {offsets = [5], sizes = [1], strides = [1]} : vector<16xi32> to vector<1xi32>
      %squeeze3A_169 = vector.extract %slice3A_168[0] : i32 from vector<1xi32>
      %mul3A_170 = arith.constant 16 : i32
      %mul3A_171 = arith.muli %scan3A_92, %mul3A_170 : i32
      %add3A_172 = arith.constant 5 : i32
      %add3A_173 = arith.addi %mul3A_171, %add3A_172 : i32
      %dma_start3A_174 = arith.constant 0 : i32
      %dma_start3A_175 = tpu.memref_slice %arg9[%add3A_173, %dma_start3A_174] : memref<128x64xf32, #tpu.memory_space<vmem>> -> memref<1x64xf32, #tpu.memory_space<vmem>>
      %dma_start3A_176 = arith.constant 0 : i32
      %dma_start3A_177 = tpu.memref_slice %arg3[%squeeze3A_169, %dma_start3A_176] : memref<100000x64xf32, #tpu.memory_space<hbm>> -> memref<1x64xf32, #tpu.memory_space<hbm>>
      %dma_start3A_178 = arith.constant 0 : i32
      %dma_start3A_179 = tpu.memref_slice %arg9[%add3A_173, %dma_start3A_178] : memref<128x64xf32, #tpu.memory_space<vmem>> -> memref<1x64xf32, #tpu.memory_space<vmem>>
      %dma_start3A_180 = arith.constant 0 : i32
      %dma_start3A_181 = tpu.memref_slice %arg3[%squeeze3A_169, %dma_start3A_180] : memref<100000x64xf32, #tpu.memory_space<hbm>> -> memref<1x64xf32, #tpu.memory_space<hbm>>
      tpu.enqueue_dma source(%dma_start3A_181 : memref<1x64xf32, #tpu.memory_space<hbm>>) target(%dma_start3A_179 : memref<1x64xf32, #tpu.memory_space<vmem>>) target_semaphore(%arg13 : memref<!tpu.dma_semaphore, #tpu.memory_space<semaphore_mem>>)
      %slice3A_182 = vector.extract_strided_slice %get3A_99 {offsets = [6], sizes = [1], strides = [1]} : vector<16xi32> to vector<1xi32>
      %squeeze3A_183 = vector.extract %slice3A_182[0] : i32 from vector<1xi32>
      %mul3A_184 = arith.constant 16 : i32
      %mul3A_185 = arith.muli %scan3A_92, %mul3A_184 : i32
      %add3A_186 = arith.constant 6 : i32
      %add3A_187 = arith.addi %mul3A_185, %add3A_186 : i32
      %dma_start3A_188 = arith.constant 0 : i32
      %dma_start3A_189 = tpu.memref_slice %arg9[%add3A_187, %dma_start3A_188] : memref<128x64xf32, #tpu.memory_space<vmem>> -> memref<1x64xf32, #tpu.memory_space<vmem>>
      %dma_start3A_190 = arith.constant 0 : i32
      %dma_start3A_191 = tpu.memref_slice %arg3[%squeeze3A_183, %dma_start3A_190] : memref<100000x64xf32, #tpu.memory_space<hbm>> -> memref<1x64xf32, #tpu.memory_space<hbm>>
      %dma_start3A_192 = arith.constant 0 : i32
      %dma_start3A_193 = tpu.memref_slice %arg9[%add3A_187, %dma_start3A_192] : memref<128x64xf32, #tpu.memory_space<vmem>> -> memref<1x64xf32, #tpu.memory_space<vmem>>
      %dma_start3A_194 = arith.constant 0 : i32
      %dma_start3A_195 = tpu.memref_slice %arg3[%squeeze3A_183, %dma_start3A_194] : memref<100000x64xf32, #tpu.memory_space<hbm>> -> memref<1x64xf32, #tpu.memory_space<hbm>>
      tpu.enqueue_dma source(%dma_start3A_195 : memref<1x64xf32, #tpu.memory_space<hbm>>) target(%dma_start3A_193 : memref<1x64xf32, #tpu.memory_space<vmem>>) target_semaphore(%arg13 : memref<!tpu.dma_semaphore, #tpu.memory_space<semaphore_mem>>)
      %slice3A_196 = vector.extract_strided_slice %get3A_99 {offsets = [7], sizes = [1], strides = [1]} : vector<16xi32> to vector<1xi32>
      %squeeze3A_197 = vector.extract %slice3A_196[0] : i32 from vector<1xi32>
      %mul3A_198 = arith.constant 16 : i32
      %mul3A_199 = arith.muli %scan3A_92, %mul3A_198 : i32
      %add3A_200 = arith.constant 7 : i32
      %add3A_201 = arith.addi %mul3A_199, %add3A_200 : i32
      %dma_start3A_202 = arith.constant 0 : i32
      %dma_start3A_203 = tpu.memref_slice %arg9[%add3A_201, %dma_start3A_202] : memref<128x64xf32, #tpu.memory_space<vmem>> -> memref<1x64xf32, #tpu.memory_space<vmem>>
      %dma_start3A_204 = arith.constant 0 : i32
      %dma_start3A_205 = tpu.memref_slice %arg3[%squeeze3A_197, %dma_start3A_204] : memref<100000x64xf32, #tpu.memory_space<hbm>> -> memref<1x64xf32, #tpu.memory_space<hbm>>
      %dma_start3A_206 = arith.constant 0 : i32
      %dma_start3A_207 = tpu.memref_slice %arg9[%add3A_201, %dma_start3A_206] : memref<128x64xf32, #tpu.memory_space<vmem>> -> memref<1x64xf32, #tpu.memory_space<vmem>>
      %dma_start3A_208 = arith.constant 0 : i32
      %dma_start3A_209 = tpu.memref_slice %arg3[%squeeze3A_197, %dma_start3A_208] : memref<100000x64xf32, #tpu.memory_space<hbm>> -> memref<1x64xf32, #tpu.memory_space<hbm>>
      tpu.enqueue_dma source(%dma_start3A_209 : memref<1x64xf32, #tpu.memory_space<hbm>>) target(%dma_start3A_207 : memref<1x64xf32, #tpu.memory_space<vmem>>) target_semaphore(%arg13 : memref<!tpu.dma_semaphore, #tpu.memory_space<semaphore_mem>>)
      %slice3A_210 = vector.extract_strided_slice %get3A_99 {offsets = [8], sizes = [1], strides = [1]} : vector<16xi32> to vector<1xi32>
      %squeeze3A_211 = vector.extract %slice3A_210[0] : i32 from vector<1xi32>
      %mul3A_212 = arith.constant 16 : i32
      %mul3A_213 = arith.muli %scan3A_92, %mul3A_212 : i32
      %add3A_214 = arith.constant 8 : i32
      %add3A_215 = arith.addi %mul3A_213, %add3A_214 : i32
      %dma_start3A_216 = arith.constant 0 : i32
      %dma_start3A_217 = tpu.memref_slice %arg9[%add3A_215, %dma_start3A_216] : memref<128x64xf32, #tpu.memory_space<vmem>> -> memref<1x64xf32, #tpu.memory_space<vmem>>
      %dma_start3A_218 = arith.constant 0 : i32
      %dma_start3A_219 = tpu.memref_slice %arg3[%squeeze3A_211, %dma_start3A_218] : memref<100000x64xf32, #tpu.memory_space<hbm>> -> memref<1x64xf32, #tpu.memory_space<hbm>>
      %dma_start3A_220 = arith.constant 0 : i32
      %dma_start3A_221 = tpu.memref_slice %arg9[%add3A_215, %dma_start3A_220] : memref<128x64xf32, #tpu.memory_space<vmem>> -> memref<1x64xf32, #tpu.memory_space<vmem>>
      %dma_start3A_222 = arith.constant 0 : i32
      %dma_start3A_223 = tpu.memref_slice %arg3[%squeeze3A_211, %dma_start3A_222] : memref<100000x64xf32, #tpu.memory_space<hbm>> -> memref<1x64xf32, #tpu.memory_space<hbm>>
      tpu.enqueue_dma source(%dma_start3A_223 : memref<1x64xf32, #tpu.memory_space<hbm>>) target(%dma_start3A_221 : memref<1x64xf32, #tpu.memory_space<vmem>>) target_semaphore(%arg13 : memref<!tpu.dma_semaphore, #tpu.memory_space<semaphore_mem>>)
      %slice3A_224 = vector.extract_strided_slice %get3A_99 {offsets = [9], sizes = [1], strides = [1]} : vector<16xi32> to vector<1xi32>
      %squeeze3A_225 = vector.extract %slice3A_224[0] : i32 from vector<1xi32>
      %mul3A_226 = arith.constant 16 : i32
      %mul3A_227 = arith.muli %scan3A_92, %mul3A_226 : i32
      %add3A_228 = arith.constant 9 : i32
      %add3A_229 = arith.addi %mul3A_227, %add3A_228 : i32
      %dma_start3A_230 = arith.constant 0 : i32
      %dma_start3A_231 = tpu.memref_slice %arg9[%add3A_229, %dma_start3A_230] : memref<128x64xf32, #tpu.memory_space<vmem>> -> memref<1x64xf32, #tpu.memory_space<vmem>>
      %dma_start3A_232 = arith.constant 0 : i32
      %dma_start3A_233 = tpu.memref_slice %arg3[%squeeze3A_225, %dma_start3A_232] : memref<100000x64xf32, #tpu.memory_space<hbm>> -> memref<1x64xf32, #tpu.memory_space<hbm>>
      %dma_start3A_234 = arith.constant 0 : i32
      %dma_start3A_235 = tpu.memref_slice %arg9[%add3A_229, %dma_start3A_234] : memref<128x64xf32, #tpu.memory_space<vmem>> -> memref<1x64xf32, #tpu.memory_space<vmem>>
      %dma_start3A_236 = arith.constant 0 : i32
      %dma_start3A_237 = tpu.memref_slice %arg3[%squeeze3A_225, %dma_start3A_236] : memref<100000x64xf32, #tpu.memory_space<hbm>> -> memref<1x64xf32, #tpu.memory_space<hbm>>
      tpu.enqueue_dma source(%dma_start3A_237 : memref<1x64xf32, #tpu.memory_space<hbm>>) target(%dma_start3A_235 : memref<1x64xf32, #tpu.memory_space<vmem>>) target_semaphore(%arg13 : memref<!tpu.dma_semaphore, #tpu.memory_space<semaphore_mem>>)
      %slice3A_238 = vector.extract_strided_slice %get3A_99 {offsets = [10], sizes = [1], strides = [1]} : vector<16xi32> to vector<1xi32>
      %squeeze3A_239 = vector.extract %slice3A_238[0] : i32 from vector<1xi32>
      %mul3A_240 = arith.constant 16 : i32
      %mul3A_241 = arith.muli %scan3A_92, %mul3A_240 : i32
      %add3A_242 = arith.constant 10 : i32
      %add3A_243 = arith.addi %mul3A_241, %add3A_242 : i32
      %dma_start3A_244 = arith.constant 0 : i32
      %dma_start3A_245 = tpu.memref_slice %arg9[%add3A_243, %dma_start3A_244] : memref<128x64xf32, #tpu.memory_space<vmem>> -> memref<1x64xf32, #tpu.memory_space<vmem>>
      %dma_start3A_246 = arith.constant 0 : i32
      %dma_start3A_247 = tpu.memref_slice %arg3[%squeeze3A_239, %dma_start3A_246] : memref<100000x64xf32, #tpu.memory_space<hbm>> -> memref<1x64xf32, #tpu.memory_space<hbm>>
      %dma_start3A_248 = arith.constant 0 : i32
      %dma_start3A_249 = tpu.memref_slice %arg9[%add3A_243, %dma_start3A_248] : memref<128x64xf32, #tpu.memory_space<vmem>> -> memref<1x64xf32, #tpu.memory_space<vmem>>
      %dma_start3A_250 = arith.constant 0 : i32
      %dma_start3A_251 = tpu.memref_slice %arg3[%squeeze3A_239, %dma_start3A_250] : memref<100000x64xf32, #tpu.memory_space<hbm>> -> memref<1x64xf32, #tpu.memory_space<hbm>>
      tpu.enqueue_dma source(%dma_start3A_251 : memref<1x64xf32, #tpu.memory_space<hbm>>) target(%dma_start3A_249 : memref<1x64xf32, #tpu.memory_space<vmem>>) target_semaphore(%arg13 : memref<!tpu.dma_semaphore, #tpu.memory_space<semaphore_mem>>)
      %slice3A_252 = vector.extract_strided_slice %get3A_99 {offsets = [11], sizes = [1], strides = [1]} : vector<16xi32> to vector<1xi32>
      %squeeze3A_253 = vector.extract %slice3A_252[0] : i32 from vector<1xi32>
      %mul3A_254 = arith.constant 16 : i32
      %mul3A_255 = arith.muli %scan3A_92, %mul3A_254 : i32
      %add3A_256 = arith.constant 11 : i32
      %add3A_257 = arith.addi %mul3A_255, %add3A_256 : i32
      %dma_start3A_258 = arith.constant 0 : i32
      %dma_start3A_259 = tpu.memref_slice %arg9[%add3A_257, %dma_start3A_258] : memref<128x64xf32, #tpu.memory_space<vmem>> -> memref<1x64xf32, #tpu.memory_space<vmem>>
      %dma_start3A_260 = arith.constant 0 : i32
      %dma_start3A_261 = tpu.memref_slice %arg3[%squeeze3A_253, %dma_start3A_260] : memref<100000x64xf32, #tpu.memory_space<hbm>> -> memref<1x64xf32, #tpu.memory_space<hbm>>
      %dma_start3A_262 = arith.constant 0 : i32
      %dma_start3A_263 = tpu.memref_slice %arg9[%add3A_257, %dma_start3A_262] : memref<128x64xf32, #tpu.memory_space<vmem>> -> memref<1x64xf32, #tpu.memory_space<vmem>>
      %dma_start3A_264 = arith.constant 0 : i32
      %dma_start3A_265 = tpu.memref_slice %arg3[%squeeze3A_253, %dma_start3A_264] : memref<100000x64xf32, #tpu.memory_space<hbm>> -> memref<1x64xf32, #tpu.memory_space<hbm>>
      tpu.enqueue_dma source(%dma_start3A_265 : memref<1x64xf32, #tpu.memory_space<hbm>>) target(%dma_start3A_263 : memref<1x64xf32, #tpu.memory_space<vmem>>) target_semaphore(%arg13 : memref<!tpu.dma_semaphore, #tpu.memory_space<semaphore_mem>>)
      %slice3A_266 = vector.extract_strided_slice %get3A_99 {offsets = [12], sizes = [1], strides = [1]} : vector<16xi32> to vector<1xi32>
      %squeeze3A_267 = vector.extract %slice3A_266[0] : i32 from vector<1xi32>
      %mul3A_268 = arith.constant 16 : i32
      %mul3A_269 = arith.muli %scan3A_92, %mul3A_268 : i32
      %add3A_270 = arith.constant 12 : i32
      %add3A_271 = arith.addi %mul3A_269, %add3A_270 : i32
      %dma_start3A_272 = arith.constant 0 : i32
      %dma_start3A_273 = tpu.memref_slice %arg9[%add3A_271, %dma_start3A_272] : memref<128x64xf32, #tpu.memory_space<vmem>> -> memref<1x64xf32, #tpu.memory_space<vmem>>
      %dma_start3A_274 = arith.constant 0 : i32
      %dma_start3A_275 = tpu.memref_slice %arg3[%squeeze3A_267, %dma_start3A_274] : memref<100000x64xf32, #tpu.memory_space<hbm>> -> memref<1x64xf32, #tpu.memory_space<hbm>>
      %dma_start3A_276 = arith.constant 0 : i32
      %dma_start3A_277 = tpu.memref_slice %arg9[%add3A_271, %dma_start3A_276] : memref<128x64xf32, #tpu.memory_space<vmem>> -> memref<1x64xf32, #tpu.memory_space<vmem>>
      %dma_start3A_278 = arith.constant 0 : i32
      %dma_start3A_279 = tpu.memref_slice %arg3[%squeeze3A_267, %dma_start3A_278] : memref<100000x64xf32, #tpu.memory_space<hbm>> -> memref<1x64xf32, #tpu.memory_space<hbm>>
      tpu.enqueue_dma source(%dma_start3A_279 : memref<1x64xf32, #tpu.memory_space<hbm>>) target(%dma_start3A_277 : memref<1x64xf32, #tpu.memory_space<vmem>>) target_semaphore(%arg13 : memref<!tpu.dma_semaphore, #tpu.memory_space<semaphore_mem>>)
      %slice3A_280 = vector.extract_strided_slice %get3A_99 {offsets = [13], sizes = [1], strides = [1]} : vector<16xi32> to vector<1xi32>
      %squeeze3A_281 = vector.extract %slice3A_280[0] : i32 from vector<1xi32>
      %mul3A_282 = arith.constant 16 : i32
      %mul3A_283 = arith.muli %scan3A_92, %mul3A_282 : i32
      %add3A_284 = arith.constant 13 : i32
      %add3A_285 = arith.addi %mul3A_283, %add3A_284 : i32
      %dma_start3A_286 = arith.constant 0 : i32
      %dma_start3A_287 = tpu.memref_slice %arg9[%add3A_285, %dma_start3A_286] : memref<128x64xf32, #tpu.memory_space<vmem>> -> memref<1x64xf32, #tpu.memory_space<vmem>>
      %dma_start3A_288 = arith.constant 0 : i32
      %dma_start3A_289 = tpu.memref_slice %arg3[%squeeze3A_281, %dma_start3A_288] : memref<100000x64xf32, #tpu.memory_space<hbm>> -> memref<1x64xf32, #tpu.memory_space<hbm>>
      %dma_start3A_290 = arith.constant 0 : i32
      %dma_start3A_291 = tpu.memref_slice %arg9[%add3A_285, %dma_start3A_290] : memref<128x64xf32, #tpu.memory_space<vmem>> -> memref<1x64xf32, #tpu.memory_space<vmem>>
      %dma_start3A_292 = arith.constant 0 : i32
      %dma_start3A_293 = tpu.memref_slice %arg3[%squeeze3A_281, %dma_start3A_292] : memref<100000x64xf32, #tpu.memory_space<hbm>> -> memref<1x64xf32, #tpu.memory_space<hbm>>
      tpu.enqueue_dma source(%dma_start3A_293 : memref<1x64xf32, #tpu.memory_space<hbm>>) target(%dma_start3A_291 : memref<1x64xf32, #tpu.memory_space<vmem>>) target_semaphore(%arg13 : memref<!tpu.dma_semaphore, #tpu.memory_space<semaphore_mem>>)
      %slice3A_294 = vector.extract_strided_slice %get3A_99 {offsets = [14], sizes = [1], strides = [1]} : vector<16xi32> to vector<1xi32>
      %squeeze3A_295 = vector.extract %slice3A_294[0] : i32 from vector<1xi32>
      %mul3A_296 = arith.constant 16 : i32
      %mul3A_297 = arith.muli %scan3A_92, %mul3A_296 : i32
      %add3A_298 = arith.constant 14 : i32
      %add3A_299 = arith.addi %mul3A_297, %add3A_298 : i32
      %dma_start3A_300 = arith.constant 0 : i32
      %dma_start3A_301 = tpu.memref_slice %arg9[%add3A_299, %dma_start3A_300] : memref<128x64xf32, #tpu.memory_space<vmem>> -> memref<1x64xf32, #tpu.memory_space<vmem>>
      %dma_start3A_302 = arith.constant 0 : i32
      %dma_start3A_303 = tpu.memref_slice %arg3[%squeeze3A_295, %dma_start3A_302] : memref<100000x64xf32, #tpu.memory_space<hbm>> -> memref<1x64xf32, #tpu.memory_space<hbm>>
      %dma_start3A_304 = arith.constant 0 : i32
      %dma_start3A_305 = tpu.memref_slice %arg9[%add3A_299, %dma_start3A_304] : memref<128x64xf32, #tpu.memory_space<vmem>> -> memref<1x64xf32, #tpu.memory_space<vmem>>
      %dma_start3A_306 = arith.constant 0 : i32
      %dma_start3A_307 = tpu.memref_slice %arg3[%squeeze3A_295, %dma_start3A_306] : memref<100000x64xf32, #tpu.memory_space<hbm>> -> memref<1x64xf32, #tpu.memory_space<hbm>>
      tpu.enqueue_dma source(%dma_start3A_307 : memref<1x64xf32, #tpu.memory_space<hbm>>) target(%dma_start3A_305 : memref<1x64xf32, #tpu.memory_space<vmem>>) target_semaphore(%arg13 : memref<!tpu.dma_semaphore, #tpu.memory_space<semaphore_mem>>)
      %slice3A_308 = vector.extract_strided_slice %get3A_99 {offsets = [15], sizes = [1], strides = [1]} : vector<16xi32> to vector<1xi32>
      %squeeze3A_309 = vector.extract %slice3A_308[0] : i32 from vector<1xi32>
      %mul3A_310 = arith.constant 16 : i32
      %mul3A_311 = arith.muli %scan3A_92, %mul3A_310 : i32
      %add3A_312 = arith.constant 15 : i32
      %add3A_313 = arith.addi %mul3A_311, %add3A_312 : i32
      %dma_start3A_314 = arith.constant 0 : i32
      %dma_start3A_315 = tpu.memref_slice %arg9[%add3A_313, %dma_start3A_314] : memref<128x64xf32, #tpu.memory_space<vmem>> -> memref<1x64xf32, #tpu.memory_space<vmem>>
      %dma_start3A_316 = arith.constant 0 : i32
      %dma_start3A_317 = tpu.memref_slice %arg3[%squeeze3A_309, %dma_start3A_316] : memref<100000x64xf32, #tpu.memory_space<hbm>> -> memref<1x64xf32, #tpu.memory_space<hbm>>
      %dma_start3A_318 = arith.constant 0 : i32
      %dma_start3A_319 = tpu.memref_slice %arg9[%add3A_313, %dma_start3A_318] : memref<128x64xf32, #tpu.memory_space<vmem>> -> memref<1x64xf32, #tpu.memory_space<vmem>>
      %dma_start3A_320 = arith.constant 0 : i32
      %dma_start3A_321 = tpu.memref_slice %arg3[%squeeze3A_309, %dma_start3A_320] : memref<100000x64xf32, #tpu.memory_space<hbm>> -> memref<1x64xf32, #tpu.memory_space<hbm>>
      tpu.enqueue_dma source(%dma_start3A_321 : memref<1x64xf32, #tpu.memory_space<hbm>>) target(%dma_start3A_319 : memref<1x64xf32, #tpu.memory_space<vmem>>) target_semaphore(%arg13 : memref<!tpu.dma_semaphore, #tpu.memory_space<semaphore_mem>>)
      %scan3A_322 = arith.constant 0 : i32
      scf.yield %scan3A_322 : i32
    }
    %scan3A_29 = arith.constant 8 : i32
    %dma_wait3A = arith.constant 0 : i32
    %dma_wait3A_30 = arith.constant 0 : i32
    %dma_wait3A_31 = tpu.memref_slice %arg3[%dma_wait3A, %dma_wait3A_30] : memref<100000x64xf32, #tpu.memory_space<hbm>> -> memref<128x64xf32, #tpu.memory_space<hbm>>
    %dma_wait3A_32 = arith.constant 0 : i32
    %dma_wait3A_33 = arith.constant 0 : i32
    %dma_wait3A_34 = tpu.memref_slice %arg3[%dma_wait3A_32, %dma_wait3A_33] : memref<100000x64xf32, #tpu.memory_space<hbm>> -> memref<128x64xf32, #tpu.memory_space<hbm>>
    tpu.wait_dma2 semaphore(%arg10 : memref<!tpu.dma_semaphore, #tpu.memory_space<semaphore_mem>>) src(%dma_wait3A_34 : memref<128x64xf32, #tpu.memory_space<hbm>>) dst(%arg6 : memref<128x64xf32, #tpu.memory_space<vmem>>)
    %add3A_35 = arith.constant 0 : i32
    %add3A_36 = arith.addi %mul3A_2, %add3A_35 : i32
    %dma_start3A = arith.constant 0 : i32
    %dma_start3A_37 = tpu.memref_slice %arg4[%add3A_36, %dma_start3A] : memref<16384x64xf32, #tpu.memory_space<hbm>> -> memref<128x64xf32, #tpu.memory_space<hbm>>
    %dma_start3A_38 = arith.constant 0 : i32
    %dma_start3A_39 = tpu.memref_slice %arg4[%add3A_36, %dma_start3A_38] : memref<16384x64xf32, #tpu.memory_space<hbm>> -> memref<128x64xf32, #tpu.memory_space<hbm>>
    tpu.enqueue_dma source(%arg6 : memref<128x64xf32, #tpu.memory_space<vmem>>) target(%dma_start3A_39 : memref<128x64xf32, #tpu.memory_space<hbm>>) target_semaphore(%arg14 : memref<!tpu.dma_semaphore, #tpu.memory_space<semaphore_mem>>)
    %dma_wait3A_40 = arith.constant 0 : i32
    %dma_wait3A_41 = arith.constant 0 : i32
    %dma_wait3A_42 = tpu.memref_slice %arg3[%dma_wait3A_40, %dma_wait3A_41] : memref<100000x64xf32, #tpu.memory_space<hbm>> -> memref<128x64xf32, #tpu.memory_space<hbm>>
    %dma_wait3A_43 = arith.constant 0 : i32
    %dma_wait3A_44 = arith.constant 0 : i32
    %dma_wait3A_45 = tpu.memref_slice %arg3[%dma_wait3A_43, %dma_wait3A_44] : memref<100000x64xf32, #tpu.memory_space<hbm>> -> memref<128x64xf32, #tpu.memory_space<hbm>>
    tpu.wait_dma2 semaphore(%arg11 : memref<!tpu.dma_semaphore, #tpu.memory_space<semaphore_mem>>) src(%dma_wait3A_45 : memref<128x64xf32, #tpu.memory_space<hbm>>) dst(%arg7 : memref<128x64xf32, #tpu.memory_space<vmem>>)
    %add3A_46 = arith.constant 128 : i32
    %add3A_47 = arith.addi %mul3A_2, %add3A_46 : i32
    %dma_start3A_48 = arith.constant 0 : i32
    %dma_start3A_49 = tpu.memref_slice %arg4[%add3A_47, %dma_start3A_48] : memref<16384x64xf32, #tpu.memory_space<hbm>> -> memref<128x64xf32, #tpu.memory_space<hbm>>
    %dma_start3A_50 = arith.constant 0 : i32
    %dma_start3A_51 = tpu.memref_slice %arg4[%add3A_47, %dma_start3A_50] : memref<16384x64xf32, #tpu.memory_space<hbm>> -> memref<128x64xf32, #tpu.memory_space<hbm>>
    tpu.enqueue_dma source(%arg7 : memref<128x64xf32, #tpu.memory_space<vmem>>) target(%dma_start3A_51 : memref<128x64xf32, #tpu.memory_space<hbm>>) target_semaphore(%arg14 : memref<!tpu.dma_semaphore, #tpu.memory_space<semaphore_mem>>)
    %dma_wait3A_52 = arith.constant 0 : i32
    %dma_wait3A_53 = arith.constant 0 : i32
    %dma_wait3A_54 = tpu.memref_slice %arg3[%dma_wait3A_52, %dma_wait3A_53] : memref<100000x64xf32, #tpu.memory_space<hbm>> -> memref<128x64xf32, #tpu.memory_space<hbm>>
    %dma_wait3A_55 = arith.constant 0 : i32
    %dma_wait3A_56 = arith.constant 0 : i32
    %dma_wait3A_57 = tpu.memref_slice %arg3[%dma_wait3A_55, %dma_wait3A_56] : memref<100000x64xf32, #tpu.memory_space<hbm>> -> memref<128x64xf32, #tpu.memory_space<hbm>>
    tpu.wait_dma2 semaphore(%arg12 : memref<!tpu.dma_semaphore, #tpu.memory_space<semaphore_mem>>) src(%dma_wait3A_57 : memref<128x64xf32, #tpu.memory_space<hbm>>) dst(%arg8 : memref<128x64xf32, #tpu.memory_space<vmem>>)
    %add3A_58 = arith.constant 256 : i32
    %add3A_59 = arith.addi %mul3A_2, %add3A_58 : i32
    %dma_start3A_60 = arith.constant 0 : i32
    %dma_start3A_61 = tpu.memref_slice %arg4[%add3A_59, %dma_start3A_60] : memref<16384x64xf32, #tpu.memory_space<hbm>> -> memref<128x64xf32, #tpu.memory_space<hbm>>
    %dma_start3A_62 = arith.constant 0 : i32
    %dma_start3A_63 = tpu.memref_slice %arg4[%add3A_59, %dma_start3A_62] : memref<16384x64xf32, #tpu.memory_space<hbm>> -> memref<128x64xf32, #tpu.memory_space<hbm>>
    tpu.enqueue_dma source(%arg8 : memref<128x64xf32, #tpu.memory_space<vmem>>) target(%dma_start3A_63 : memref<128x64xf32, #tpu.memory_space<hbm>>) target_semaphore(%arg14 : memref<!tpu.dma_semaphore, #tpu.memory_space<semaphore_mem>>)
    %dma_wait3A_64 = arith.constant 0 : i32
    %dma_wait3A_65 = arith.constant 0 : i32
    %dma_wait3A_66 = tpu.memref_slice %arg3[%dma_wait3A_64, %dma_wait3A_65] : memref<100000x64xf32, #tpu.memory_space<hbm>> -> memref<128x64xf32, #tpu.memory_space<hbm>>
    %dma_wait3A_67 = arith.constant 0 : i32
    %dma_wait3A_68 = arith.constant 0 : i32
    %dma_wait3A_69 = tpu.memref_slice %arg3[%dma_wait3A_67, %dma_wait3A_68] : memref<100000x64xf32, #tpu.memory_space<hbm>> -> memref<128x64xf32, #tpu.memory_space<hbm>>
    tpu.wait_dma2 semaphore(%arg13 : memref<!tpu.dma_semaphore, #tpu.memory_space<semaphore_mem>>) src(%dma_wait3A_69 : memref<128x64xf32, #tpu.memory_space<hbm>>) dst(%arg9 : memref<128x64xf32, #tpu.memory_space<vmem>>)
    %add3A_70 = arith.constant 384 : i32
    %add3A_71 = arith.addi %mul3A_2, %add3A_70 : i32
    %dma_start3A_72 = arith.constant 0 : i32
    %dma_start3A_73 = tpu.memref_slice %arg4[%add3A_71, %dma_start3A_72] : memref<16384x64xf32, #tpu.memory_space<hbm>> -> memref<128x64xf32, #tpu.memory_space<hbm>>
    %dma_start3A_74 = arith.constant 0 : i32
    %dma_start3A_75 = tpu.memref_slice %arg4[%add3A_71, %dma_start3A_74] : memref<16384x64xf32, #tpu.memory_space<hbm>> -> memref<128x64xf32, #tpu.memory_space<hbm>>
    tpu.enqueue_dma source(%arg9 : memref<128x64xf32, #tpu.memory_space<vmem>>) target(%dma_start3A_75 : memref<128x64xf32, #tpu.memory_space<hbm>>) target_semaphore(%arg14 : memref<!tpu.dma_semaphore, #tpu.memory_space<semaphore_mem>>)
    %dma_wait3A_76 = arith.constant 0 : i32
    %dma_wait3A_77 = tpu.memref_slice %arg4[%add3A_36, %dma_wait3A_76] : memref<16384x64xf32, #tpu.memory_space<hbm>> -> memref<128x64xf32, #tpu.memory_space<hbm>>
    %dma_wait3A_78 = arith.constant 0 : i32
    %dma_wait3A_79 = tpu.memref_slice %arg4[%add3A_36, %dma_wait3A_78] : memref<16384x64xf32, #tpu.memory_space<hbm>> -> memref<128x64xf32, #tpu.memory_space<hbm>>
    tpu.wait_dma2 semaphore(%arg14 : memref<!tpu.dma_semaphore, #tpu.memory_space<semaphore_mem>>) src(%arg6 : memref<128x64xf32, #tpu.memory_space<vmem>>) dst(%dma_wait3A_79 : memref<128x64xf32, #tpu.memory_space<hbm>>)
    %dma_wait3A_80 = arith.constant 0 : i32
    %dma_wait3A_81 = tpu.memref_slice %arg4[%add3A_47, %dma_wait3A_80] : memref<16384x64xf32, #tpu.memory_space<hbm>> -> memref<128x64xf32, #tpu.memory_space<hbm>>
    %dma_wait3A_82 = arith.constant 0 : i32
    %dma_wait3A_83 = tpu.memref_slice %arg4[%add3A_47, %dma_wait3A_82] : memref<16384x64xf32, #tpu.memory_space<hbm>> -> memref<128x64xf32, #tpu.memory_space<hbm>>
    tpu.wait_dma2 semaphore(%arg14 : memref<!tpu.dma_semaphore, #tpu.memory_space<semaphore_mem>>) src(%arg7 : memref<128x64xf32, #tpu.memory_space<vmem>>) dst(%dma_wait3A_83 : memref<128x64xf32, #tpu.memory_space<hbm>>)
    %dma_wait3A_84 = arith.constant 0 : i32
    %dma_wait3A_85 = tpu.memref_slice %arg4[%add3A_59, %dma_wait3A_84] : memref<16384x64xf32, #tpu.memory_space<hbm>> -> memref<128x64xf32, #tpu.memory_space<hbm>>
    %dma_wait3A_86 = arith.constant 0 : i32
    %dma_wait3A_87 = tpu.memref_slice %arg4[%add3A_59, %dma_wait3A_86] : memref<16384x64xf32, #tpu.memory_space<hbm>> -> memref<128x64xf32, #tpu.memory_space<hbm>>
    tpu.wait_dma2 semaphore(%arg14 : memref<!tpu.dma_semaphore, #tpu.memory_space<semaphore_mem>>) src(%arg8 : memref<128x64xf32, #tpu.memory_space<vmem>>) dst(%dma_wait3A_87 : memref<128x64xf32, #tpu.memory_space<hbm>>)
    %dma_wait3A_88 = arith.constant 0 : i32
    %dma_wait3A_89 = tpu.memref_slice %arg4[%add3A_71, %dma_wait3A_88] : memref<16384x64xf32, #tpu.memory_space<hbm>> -> memref<128x64xf32, #tpu.memory_space<hbm>>
    %dma_wait3A_90 = arith.constant 0 : i32
    %dma_wait3A_91 = tpu.memref_slice %arg4[%add3A_71, %dma_wait3A_90] : memref<16384x64xf32, #tpu.memory_space<hbm>> -> memref<128x64xf32, #tpu.memory_space<hbm>>
    tpu.wait_dma2 semaphore(%arg14 : memref<!tpu.dma_semaphore, #tpu.memory_space<semaphore_mem>>) src(%arg9 : memref<128x64xf32, #tpu.memory_space<vmem>>) dst(%dma_wait3A_91 : memref<128x64xf32, #tpu.memory_space<hbm>>)
    return
  }
}

</mosaic_0001>

<sc_bundles>
// kernel: kernel.3.cloned.1.call-start
scs
__scs_entry_jumppad:
0x0: {  	(pc) =	sbr.rel $0x88, $3  }
0x1: {  	(tag) =	ssettag $0x0;
	lr =	simm.s32 $0x1  }
0x2: {  	[smem:$0x3F9F] =	sst lr;
	_ =	strace $0xD0000000  }
0x3: {  	_ = 	snop  }
0x4: {  	_ = 	snop  }
0x5: {  	_ = 	snop  }
0x6: {  	_ = 	snop  }
0x7: {  	_ = 	snop  }
__scs_overlays_trampoline_lowered:
0x8: {  	[smem:$0x3FAE] =	sst s0  }
0x9: {  	[smem:$0x3FAF] =	sst s1  }
0xa: {  	[smem:$0x3FB0] =	sst s2  }
0xb: {  	[smem:$0x3FB1] =	sst s3  }
0xc: {  	[smem:$0x3FB2] =	sst s4  }
0xd: {  	[smem:$0x3FB3] =	sst s5  }
0xe: {  	[smem:$0x3FB4] =	sst s6  }
0xf: {  	[smem:$0x3FB5] =	sst s7  }
0x10: {  	[smem:$0x3FB6] =	sst s8  }
0x11: {  	[smem:$0x3FB7] =	sst s9;
	s0 =	simm.s32 @!p0 $0x0  }
0x12: {  	s1 =	sld [smem:$0x3F9D];
	s0 =	simm.s32 @p0 $0x1  }
0x13: {  	[smem:$0x3FB8] =	sst s0;
	s0 =	simm.s32 @!p1 $0x0  }
0x14: {  	s2 =	sld [smem:$0x3F9C];
	s0 =	simm.s32 @p1 $0x1  }
0x15: {  	[smem:$0x3FB9] =	sst s0;
	s0 =	simm.s32 @!p2 $0x0  }
0x16: {  	s3 =	sld [smem:$0x3FDB];
	s0 =	simm.s32 @p2 $0x1  }
0x17: {  	s4 =	simm.s32 $0x1BF5;
	[smem:$0x3FBB] =	sst s0  }
0x18: {  	s0 =	sld [smem:$0x3F9E];
	_ =	swait.ge [sflag:s4], $0x0  }
0x19: {  	s7 =	sld [smem:$0x3F9F]  }
0x1a: {  	s8 =	sadd.s32 $0xFFFFE003, lr  }
0x1b: {  	s9 =	sadd.s32 $0xFFFFFEF7, lr;
	s5 =	simm.s32 $0xFFFFFFFF;
	p2 =	slt.u32 s8, $0xFFFFF086  }
0x1c: {  	p1 =	slt.u32 s9, $0xF7A;
	s5 =	simm.s32 @!p2 $0x0  }
0x1d: {  	s5 =	simm.s32 @p1 $0x1;
	p0 =	seq.s32 s7, s2  }
0x1e: {  	s7 =	smul.u32 @!p0 $0xF7A, s2;
	p2 =	seq.s32 @!p0 s5, $0x0  }
0x1f: {  	s9 =	smul.u32 $0xF7A, s1;
	s8 =	simm.s32 @!p0 $0x1BF5;
	p2 =	por !p2, p0  }
0x20: {  	[sflag:s8] =	ssyncset.s32 @!p0 $0xFFFFF086;
	s6 =	sadd.s32 @!p0 s3, s7;
	s7 =	simm.s32 @!p0 $0x108  }
0x21: {  	s3 =	sadd.s32 s3, s9;
	s6 =	sadd.s32 @!p0 $0x88, s6;
	s7 =	simm.s32 @p2 $0x1082  }
0x22: {  	[simem:s7], [sflag:s8] =	dma.local @!p0 [hbm:s6], $0xF7A  }
0x23: {  	s9 =	sor.u32 $0xD0000000, s2;
	s6 =	simm.s32 $0x108;
	_ =	swait.ge @!p0 [sflag:s8], $0x0  }
0x24: {  	s3 =	sadd.s32 $0x88, s3;
	s6 =	simm.s32 @!p1 $0x1082;
	[sflag:s4] =	ssyncset.s32 $0xFFFFF086  }
0x25: {  	[simem:s6], [sflag:s4] =	dma.local [hbm:s3], $0xF7A  }
0x26: {  	[smem:$0x3F9F] =	sst s1;
	(tag) =	ssettag s2;
	_ =	strace s9  }
0x27: {  	s1 =	sld [smem:$0x3FAF]  }
0x28: {  	s2 =	sld [smem:$0x3FB0]  }
0x29: {  	s4 =	sld [smem:$0x3FB2]  }
0x2a: {  	p0 =	seq.s32 s5, $0x0;
	s5 =	sld [smem:$0x3FB3]  }
0x2b: {  	s6 =	sld [smem:$0x3FB4]  }
0x2c: {  	s7 =	sld [smem:$0x3FB5]  }
0x2d: {  	s3 =	simm.s32 $0x108;
	s8 =	sld [smem:$0x3FB6]  }
0x2e: {  	s3 =	simm.s32 @!p0 $0x1082;
	s9 =	sld [smem:$0x3FB7]  }
0x2f: {  	lr =	sadd.s32 s0, s3;
	s0 =	sld [smem:$0x3FAE]  }
0x30: {  	s3 =	sld [smem:$0x3FB1]  }
0x31: {  	[smem:$0x3FBA] =	sst s10  }
0x32: {  	s10 =	sld [smem:$0x3FB8];
	_ =	sdelay $0x3  }
0x33: {  	p0 =	seq.s32 s10, $0x1;
	s10 =	sld [smem:$0x3FBA];
	_ =	sdelay $0x3  }
0x34: {  	[smem:$0x3FBA] =	sst s10  }
0x35: {  	s10 =	sld [smem:$0x3FB9];
	_ =	sdelay $0x3  }
0x36: {  	p1 =	seq.s32 s10, $0x1;
	s10 =	sld [smem:$0x3FBA];
	_ =	sdelay $0x3  }
0x37: {  	[smem:$0x3FBA] =	sst s10  }
0x38: {  	s10 =	sld [smem:$0x3FBB]  }
0x39: {  	_ = 	snop;
	(pc) =	sbr.ind lr, $3  }
0x3a: {  	_ = 	snop  }
0x3b: {  	_ = 	snop  }
0x3c: {  	p2 =	seq.s32 s10, $0x1;
	s10 =	sld [smem:$0x3FBA]  }
0x3d: {  	_ =	shalt  }
0x3e: {  	_ =	shalt  }
0x3f: {  	_ =	shalt  }
0x40: {  	_ =	shalt  }
0x41: {  	_ =	shalt  }
0x42: {  	_ =	shalt  }
0x43: {  	_ =	shalt  }
0x44: {  	_ =	shalt  }
0x45: {  	_ =	shalt  }
0x46: {  	_ =	shalt  }
0x47: {  	_ =	shalt  }
0x48: {  	_ =	shalt  }
0x49: {  	_ =	shalt  }
0x4a: {  	_ =	shalt  }
0x4b: {  	_ =	shalt  }
0x4c: {  	_ =	shalt  }
0x4d: {  	_ =	shalt  }
0x4e: {  	_ =	shalt  }
0x4f: {  	_ =	shalt  }
0x50: {  	_ =	shalt  }
0x51: {  	_ =	shalt  }
0x52: {  	_ =	shalt  }
0x53: {  	_ =	shalt  }
0x54: {  	_ =	shalt  }
0x55: {  	_ =	shalt  }
0x56: {  	_ =	shalt  }
0x57: {  	_ =	shalt  }
0x58: {  	_ =	shalt  }
0x59: {  	_ =	shalt  }
0x5a: {  	_ =	shalt  }
0x5b: {  	_ =	shalt  }
0x5c: {  	_ =	shalt  }
0x5d: {  	_ =	shalt  }
0x5e: {  	_ =	shalt  }
0x5f: {  	_ =	shalt  }
0x60: {  	_ =	shalt  }
0x61: {  	_ =	shalt  }
0x62: {  	_ =	shalt  }
0x63: {  	_ =	shalt  }
0x64: {  	_ =	shalt  }
0x65: {  	_ =	shalt  }
0x66: {  	_ =	shalt  }
0x67: {  	_ =	shalt  }
0x68: {  	_ =	shalt  }
0x69: {  	_ =	shalt  }
0x6a: {  	_ =	shalt  }
0x6b: {  	_ =	shalt  }
0x6c: {  	_ =	shalt  }
0x6d: {  	_ =	shalt  }
0x6e: {  	_ =	shalt  }
0x6f: {  	_ =	shalt  }
0x70: {  	_ =	shalt  }
0x71: {  	_ =	shalt  }
0x72: {  	_ =	shalt  }
0x73: {  	_ =	shalt  }
0x74: {  	_ =	shalt  }
0x75: {  	_ =	shalt  }
0x76: {  	_ =	shalt  }
0x77: {  	_ =	shalt  }
0x78: {  	_ =	shalt  }
0x79: {  	_ =	shalt  }
0x7a: {  	_ =	shalt  }
0x7b: {  	_ =	shalt  }
0x7c: {  	_ =	shalt  }
0x7d: {  	_ =	shalt  }
0x7e: {  	_ =	shalt  }
0x7f: {  	_ =	shalt  }
0x80: {  	_ =	shalt  }
0x81: {  	_ =	shalt  }
0x82: {  	_ =	shalt  }
0x83: {  	_ =	shalt  }
0x84: {  	_ =	shalt  }
0x85: {  	_ =	shalt  }
0x86: {  	_ =	shalt  }
0x87: {  	_ =	shalt  }
.Lfunc_end0:
.L_simem_size_0:
called_computation_lowered:
.L_overlay_start_0:
0x88: {  	s2 =	sld [smem:$0x3FD9]  }
0x89: {  	s3 =	sld [smem:$0x3FFE];
	_ =	sdelay $0x1  }
0x8a: {  	s1 =	srdreg.scid  }
0x8b: {  	s0 =	sand.u32 $0x1, s1  }
0x8c: {  	s17 =	sshll.u32 s0, $0xA;
	s2 =	sadd.s32 s3, s2  }
0x8d: {  	s2 =	sadd.s32 s2, s17  }
0x8e: {  	[smem:$0x3FC6] =	sst s2  }
0x8f: {  	_ = 	snop  }
0x90: {  	s2 =	sld [smem:$0x3FC9];
	(tm) =	ssettm $0x1  }
0x91: {  	s18 =	sld [smem:$0x3FFB];
	_ =	sdelay $0x3  }
0x92: {  	_ =	strace s18  }
0x93: {  	s3 =	sld [smem:$0x3FFC];
	_ =	sdelay $0x3  }
0x94: {  	_ =	strace s3  }
0x95: {  	s3 =	sld [smem:$0x3FFD];
	_ =	sdelay $0x3  }
0x96: {  	_ =	strace s3  }
0x97: {  	_ =	strace $0x8FFFFFFF  }
0x98: {  	s19 =	sld [smem:$0x3FDB];
	_ =	sdelay $0x1  }
0x99: {  	s4 =	simm.s32 $_scs_section_size  }
0x9a: {  	s5 =	simm.s32 $_size__tile_overlayer_lowered;
	s6 =	simm.s32 $_tile_overlayer_lowered  }
0x9b: {  	s22 =	simm.s32 $0x1BFF;
	s21 =	sshll.u32 s6, $0x1;
	s3 =	sadd.s32 s4, s19  }
0x9c: {  	s7 =	simm.s32 $0x0;
	s20 =	sshll.u32 s5, $0x1;
	s5 =	sadd.s32 s21, s3  }
0x9d: {  	[timem:s7], [sflag:s22] =	dma.local [hbm:s5], s20  }
0x9e: {  	_ =	swait.ge [sflag:s22], s20  }
0x9f: {  	s4 =	ssub.s32 $0x0, s20;
	[sflag:s22] =	ssyncset.done $0x0  }
0xa0: {  	[sflag:s22] =	ssyncadd.s32 s4;
	_ =	sdelay $0x1  }
0xa1: {  	s23 =	simm.s32 $0x1B8B  }
0xa2: {  	_ =	swait.ge [sflag:s23], $0x1  }
0xa3: {  	[sflag:s23] =	ssyncset.done $0x0  }
0xa4: {  	s25 =	simm.s32 $0x1B8E;
	s24 =	sld [smem:$0x3FFE];
	[sflag:s23] =	ssyncadd.s32 $0xFFFFFFFF  }
0xa5: {  	s26 =	simm.s32 $execute0_lowered;
	[smem:$0x3FD2] =	sst s25  }
0xa6: {  	s5 =	sshll.u32 s26, $0x1;
	_ =	strace $0x80000046;
	[dreg:$0x1] =	wrdreg $0xFFFFFFFF  }
0xa7: {  	s28 =	simm.s32 $_size_execute0_lowered;
	s3 =	sadd.s32 s3, s5;
	[dreg:$0x0] =	wrdreg $0x0  }
0xa8: {  	s5 =	sshll.u32 s28, $0x1;
	[dreg:$0x2] =	wrdreg s3  }
0xa9: {  	[dreg:$0x3] =	wrdreg s5  }
0xaa: {  	[dreg:$0x4] =	wrdreg $0xC0  }
0xab: {  	_ =	task [dreg:s7], $0x5FFFF  }
0xac: {  	[dreg:$0x1] =	wrdreg $0xFFFFFFFF  }
0xad: {  	[dreg:$0x0] =	wrdreg $0x60  }
0xae: {  	[dreg:$0x2] =	wrdreg s2  }
0xaf: {  	[dreg:$0x3] =	wrdreg s24  }
0xb0: {  	[dreg:$0x4] =	wrdreg $0x9  }
0xb1: {  	_ =	task.clear_ibuf [dreg:s7], $0x5FFFF;
	_ =	strace $0x90000046  }
0xb2: {  	s29 =	simm.s32 $0x9;
	_ =	strace $0x80000048  }
0xb3: {  	_ =	swait.ge [sflag:s29], $0x1  }
0xb4: {  	[sflag:s29] =	ssyncadd.s32 $0xFFFFFFFF  }
0xb5: {  	_ =	strace $0x90000048  }
0xb6: {  	_ =	sfence  }
0xb7: {  	s30 =	sld [smem:$0x0];
	_ =	sdelay $0x2  }
0xb8: {  	s31 =	sshll.u32 s1, $0xD;
	s1 =	sshrl.u32 s1, $0x2  }
0xb9: {  	s3 =	sand.u32 $0x4000, s31;
	s1 =	sadd.s32 s1, s30  }
0xba: {  	s0 =	sor.u32 s3, s0;
	s1 =	sshll.u32 s1, $0x11  }
0xbb: {  	s0 =	sor.u32 s1, s0  }
0xbc: {  	s0 =	sadd.s32 $0x8F2B, s0  }
0xbd: {  	[sflag:s0] =	ssyncadd.remote.s32 $0x1  }
0xbe: {  	_ =	sfence.sel $0xFFFF  }
0xbf: {  	[dreg:$0x0] =	wrdreg $0xFFFFFFFF;
	(pc) =	sbr.abs _section_cstart, $3  }
0xc0: {  	[dreg:$0x1] =	wrdreg $0xFFFFFFFF  }
0xc1: {  	_ =	task.clear_ibuf [dreg:s7], $0x2FFFF;
	_ =	strace $0x9FFFFFFF  }
0xc2: {  	(tm) =	ssettm $0x7FFFFFFF  }
0xc3: {  	_ =	shalt  }
tec
execute0_lowered:
.L_overlay_start_1:
0x0: {  	(tag) =	ssettag $0x1  }
0x1: {  	s0 =	rddreg [dreg:$0x0]  }
0x2: {  	s1 =	rddreg [dreg:$0x1];
	s2 =	srdreg.scid  }
0x3: {  	s4 =	stileid.u32;
	s10 =	simm.s32 $0x6;
	s11 =	simm.s32 $0x1  }
0x4: {  	s13 =	simm.s32 $0x2;
	s15 =	simm.s32 $0x3;
	s3 =	sand.u32 $0x1, s2  }
0x5: {  	s2 =	simm.s32 $0x0;
	s4 =	sshll.u32 s4, $0xA;
	s5 =	sshll.u32 s3, $0x9  }
0x6: {  	s17 =	simm.s32 $0x4;
	[smem:$0x7FF] =	sst s2;
	s4 =	sor.u32 s5, s4  }
0x7: {  	s25 =	ssub.s32 $0x2, s3;
	s6 =	sshll.u32 s4, $0x4;
	s26 =	sshrl.u32 s4, $0x3  }
0x8: {  	s3 =	sadd.s32 $0x400, s1;
	s1 =	sadd.s32 s6, s1;
	s0 =	sadd.s32 s0, s26  }
0x9: {  	_ =	strace $0x80000047;
	s28 =	sadd.s32 $0x186E00, s1;
	[dreg:$0x5] =	wrdreg s0  }
0xa: {  	s19 =	simm.s32 $0x5;
	s29 =	sadd.s32 $0x187600, s1;
	[dreg:$0x3] =	wrdreg s28  }
0xb: {  	s7 =	sshrl.u32 s25, $0x1;
	s30 =	sadd.s32 $0x187E00, s1;
	[dreg:$0x4] =	wrdreg s29  }
0xc: {  	s9 =	ssub.s32 s25, s7;
	s31 =	sadd.s32 $0x188600, s1;
	[dreg:$0x6] =	wrdreg s30  }
0xd: {  	s20 =	simm.s32 $0x0;
	s9 =	smax.u32 s9, $0x1;
	[dreg:$0x7] =	wrdreg s31  }
.LBB2_1:
0xe: {  	s0 =	rddreg [dreg:$0x5]  }
0xf: {  	[tilespmem:s2], [sflag:$0x6] =	stream.linear.gather [hbm4b:s0+s2], $0x200, $0x38;
	[tilespmem:$0x10200] =	vst v63  }
0x10: {  	_ =	swait.ge [sflag:s10], $0x200  }
0x11: {  	[sflag:s10] =	ssyncset.done $0x0  }
0x12: {  	[sflag:s10] =	ssyncadd.s32 $0xFFFFFE00  }
0x13: {  	v0 =	vld [tilespmem:s2+$0x0];
	_ =	sdelay $0x4  }
0x14: {  	v0 =	vshll.u32 v0, $0x4  }
0x15: {  	(v2sf) =	vpush v0, $0x0  }
0x16: {  	(v2sf) =	vpush v0, $0x1  }
0x17: {  	(v2sf) =	vpush v0, $0x2;
	_ =	sdelay $0x1  }
0x18: {  	(v2sf) =	vpush v0, $0x4;
	_ =	sdelay $0x1  }
0x19: {  	(v2sf) =	vpush v0, $0x3  }
0x1a: {  	(v2sf) =	vpush v0, $0x5  }
0x1b: {  	s23 =	simm.s32 $0x2000;
	s22 =	simm.s32 $0x0;
	s24 =	simm.s32 $0x0;
	(v2sf) =	vpush v0, $0x6  }
.LBB2_2:
0x1c: {  	p0 =	sne.s32 s23, $0xE000  }
0x1d: {  	s14 =	sadd.s32 $0x280, s22;
	s29 =	sadd.s32 $0x780, s22;
	s25 =	smov.u32 s23  }
0x1e: {  	s23 =	sadd.s32 $0x2000, s23;
	s0 =	sadd.s32 $0x580, s22;
	s26 =	sadd.s32 $0x800, s22;
	(v2sf) =	vpush v0, $0x7  }
0x1f: {  	s12 =	sadd.s32 $0x480, s22;
	s30 =	sadd.s32 $0x600, s22;
	s28 =	sadd.s32 $0x880, s22  }
0x20: {  	s16 =	sadd.s32 $0x200, s22;
	s18 =	sadd.s32 $0x400, s22;
	(v2sf) =	vpush v0, $0x8  }
0x21: {  	s21 =	simm.s32 $0x0;
	s4 =	sadd.s32 $0x500, s22;
	s24 =	sadd.s32 $0x10, s24  }
0x22: {  	s5 =	sadd.s32 $0x300, s22;
	s31 =	sadd.s32 $0x700, s22;
	s1 =	spop (v2sf);
	(v2sf) =	vpush v0, $0x9  }
0x23: {  	s6 =	sand.u32 $0x1FFFFFF0, s1;
	s1 =	sadd.s32 $0x680, s22;
	s7 =	spop (v2sf)  }
0x24: {  	s6 =	sadd.s32 s3, s6;
	s7 =	sand.u32 $0x1FFFFFF0, s7;
	s8 =	spop (v2sf);
	(v2sf) =	vpush v0, $0xA  }
0x25: {  	[tilespmem:s16], [sflag:$0x1] =	stream.linear.gather [hbm4b:s6+s21], $0x80, $0x38;
	[tilespmem:$0x10200] =	vst v63  }
0x26: {  	s6 =	sadd.s32 s3, s7;
	s7 =	sadd.s32 $0x380, s22;
	s16 =	spop (v2sf);
	(v2sf) =	vpush v0, $0xB  }
0x27: {  	[tilespmem:s14], [sflag:$0x1] =	stream.linear.gather [hbm4b:s6+s21], $0x80, $0x38;
	[tilespmem:$0x10200] =	vst v63  }
0x28: {  	s6 =	sand.u32 $0x1FFFFFF0, s8;
	s8 =	sand.u32 $0x1FFFFFF0, s16;
	s14 =	spop (v2sf);
	(v2sf) =	vpush v0, $0xC  }
0x29: {  	s6 =	sadd.s32 s3, s6;
	s14 =	sand.u32 $0x1FFFFFF0, s14;
	s16 =	spop (v2sf)  }
0x2a: {  	[tilespmem:s5], [sflag:$0x1] =	stream.linear.gather [hbm4b:s6+s21], $0x80, $0x38;
	(v2sf) =	vpush v0, $0xD;
	[tilespmem:$0x10200] =	vst v63  }
0x2b: {  	s5 =	sadd.s32 s3, s14;
	s6 =	sand.u32 $0x1FFFFFF0, s16;
	s14 =	spop (v2sf)  }
0x2c: {  	[tilespmem:s7], [sflag:$0x1] =	stream.linear.gather [hbm4b:s5+s21], $0x80, $0x38;
	(v2sf) =	vpush v0, $0xE;
	[tilespmem:$0x10200] =	vst v63  }
0x2d: {  	s5 =	sadd.s32 s3, s8;
	s7 =	sand.u32 $0x1FFFFFF0, s14;
	s8 =	spop (v2sf)  }
0x2e: {  	[tilespmem:s18], [sflag:$0x1] =	stream.linear.gather [hbm4b:s5+s21], $0x80, $0x38;
	(v2sf) =	vpush v0, $0xF;
	[tilespmem:$0x10200] =	vst v63  }
0x2f: {  	s5 =	sadd.s32 s3, s6;
	s6 =	sand.u32 $0x1FFFFFF0, s8;
	s8 =	spop (v2sf)  }
0x30: {  	[tilespmem:s12], [sflag:$0x1] =	stream.linear.gather [hbm4b:s5+s21], $0x80, $0x38;
	[tilespmem:$0x10200] =	vst v63  }
0x31: {  	s5 =	sadd.s32 s3, s7;
	s7 =	sand.u32 $0x1FFFFFF0, s8;
	s8 =	spop (v2sf)  }
0x32: {  	[tilespmem:s4], [sflag:$0x1] =	stream.linear.gather [hbm4b:s5+s21], $0x80, $0x38;
	[tilespmem:$0x10200] =	vst v63  }
0x33: {  	s4 =	sadd.s32 s3, s6;
	s5 =	sand.u32 $0x1FFFFFF0, s8;
	s6 =	spop (v2sf)  }
0x34: {  	[tilespmem:s0], [sflag:$0x1] =	stream.linear.gather [hbm4b:s4+s21], $0x80, $0x38;
	[tilespmem:$0x10200] =	vst v63  }
0x35: {  	s0 =	sadd.s32 s3, s7;
	s4 =	sand.u32 $0x1FFFFFF0, s6;
	s6 =	spop (v2sf)  }
0x36: {  	[tilespmem:s30], [sflag:$0x1] =	stream.linear.gather [hbm4b:s0+s21], $0x80, $0x38;
	[tilespmem:$0x10200] =	vst v63  }
0x37: {  	s0 =	sadd.s32 s3, s5;
	s5 =	sand.u32 $0x1FFFFFF0, s6;
	s6 =	spop (v2sf)  }
0x38: {  	[tilespmem:s1], [sflag:$0x1] =	stream.linear.gather [hbm4b:s0+s21], $0x80, $0x38;
	[tilespmem:$0x10200] =	vst v63  }
0x39: {  	s0 =	sadd.s32 s3, s4;
	s1 =	sand.u32 $0x1FFFFFF0, s6;
	s4 =	spop (v2sf)  }
0x3a: {  	[tilespmem:s31], [sflag:$0x1] =	stream.linear.gather [hbm4b:s0+s21], $0x80, $0x38;
	[tilespmem:$0x10200] =	vst v63  }
0x3b: {  	s0 =	sadd.s32 s3, s5;
	s4 =	sand.u32 $0x1FFFFFF0, s4;
	s5 =	spop (v2sf)  }
0x3c: {  	[tilespmem:s29], [sflag:$0x1] =	stream.linear.gather [hbm4b:s0+s21], $0x80, $0x38;
	[tilespmem:$0x10200] =	vst v63  }
0x3d: {  	s0 =	sadd.s32 s3, s1;
	s1 =	sand.u32 $0x1FFFFFF0, s5;
	s5 =	spop (v2sf)  }
0x3e: {  	[tilespmem:s26], [sflag:$0x1] =	stream.linear.gather [hbm4b:s0+s21], $0x80, $0x38;
	[tilespmem:$0x10200] =	vst v63  }
0x3f: {  	s0 =	sadd.s32 s3, s4;
	s4 =	sand.u32 $0x1FFFFFF0, s5  }
0x40: {  	[tilespmem:s28], [sflag:$0x1] =	stream.linear.gather [hbm4b:s0+s21], $0x80, $0x38;
	[tilespmem:$0x10200] =	vst v63  }
0x41: {  	s1 =	sadd.s32 s3, s1;
	s0 =	sadd.s32 $0x900, s22  }
0x42: {  	[tilespmem:s0], [sflag:$0x1] =	stream.linear.gather [hbm4b:s1+s21], $0x80, $0x38;
	[tilespmem:$0x10200] =	vst v63  }
0x43: {  	s0 =	sadd.s32 $0x980, s22;
	s1 =	sadd.s32 s3, s4  }
0x44: {  	[tilespmem:s0], [sflag:$0x1] =	stream.linear.gather [hbm4b:s1+s21], $0x80, $0x38;
	[tilespmem:$0x10200] =	vst v63  }
0x45: {  	v0 =	vld [tilespmem:s24+$0x0];
	_ =	sdelay $0x4  }
0x46: {  	v0 =	vshll.u32 v0, $0x4  }
0x47: {  	(v2sf) =	vpush v0, $0x0  }
0x48: {  	(v2sf) =	vpush v0, $0x1  }
0x49: {  	(v2sf) =	vpush v0, $0x2;
	_ =	sdelay $0x1  }
0x4a: {  	(v2sf) =	vpush v0, $0x4  }
.Ltmp0:
0x4b: {  	(pc) =	sbr.rel @p0 .LBB2_2-.Ltmp0, $3  }
0x4c: {  	(v2sf) =	vpush v0, $0x3  }
0x4d: {  	(v2sf) =	vpush v0, $0x5;
	_ =	sdelay $0x1  }
0x4e: {  	s22 =	sshra.s32 s25, $0x2;
	(v2sf) =	vpush v0, $0x6  }
0x4f: {  	_ =	sdelay $0x1  }
0x50: {  	s1 =	sadd.s32 $0x280, s22;
	s24 =	sadd.s32 $0x780, s22  }
0x51: {  	s4 =	sadd.s32 $0x580, s22;
	s0 =	sadd.s32 $0x800, s22;
	(v2sf) =	vpush v0, $0x7;
	s5 =	sadd.s32 $0x480, s22  }
0x52: {  	s6 =	sadd.s32 $0x600, s22;
	s23 =	sadd.s32 $0x880, s22;
	s7 =	sadd.s32 $0x200, s22  }
0x53: {  	s8 =	sadd.s32 $0x400, s22;
	s12 =	sadd.s32 $0x500, s22;
	(v2sf) =	vpush v0, $0x8;
	s14 =	spop (v2sf)  }
0x54: {  	s16 =	sadd.s32 $0x300, s22;
	s14 =	sand.u32 $0x1FFFFFF0, s14;
	s18 =	spop (v2sf)  }
0x55: {  	(v2sf) =	vpush v0, $0x9;
	s14 =	sadd.s32 s3, s14;
	s18 =	sand.u32 $0x1FFFFFF0, s18;
	s25 =	spop (v2sf)  }
0x56: {  	[tilespmem:s7], [sflag:$0x1] =	stream.linear.gather [hbm4b:s14+s21], $0x80, $0x38;
	[tilespmem:$0x10200] =	vst v63  }
0x57: {  	(v2sf) =	vpush v0, $0xA;
	s26 =	sadd.s32 s3, s18;
	s29 =	sand.u32 $0x1FFFFFF0, s25;
	s28 =	spop (v2sf)  }
0x58: {  	[tilespmem:s1], [sflag:$0x1] =	stream.linear.gather [hbm4b:s26+s21], $0x80, $0x38;
	[tilespmem:$0x10200] =	vst v63  }
0x59: {  	s7 =	sadd.s32 $0x700, s22;
	(v2sf) =	vpush v0, $0xB;
	s14 =	sadd.s32 s3, s29;
	s30 =	spop (v2sf)  }
0x5a: {  	s1 =	sadd.s32 $0x680, s22;
	s26 =	sadd.s32 $0x380, s22;
	s25 =	sand.u32 $0x1FFFFFF0, s30  }
0x5b: {  	(v2sf) =	vpush v0, $0xC;
	[tilespmem:s16], [sflag:$0x1] =	stream.linear.gather [hbm4b:s14+s21], $0x80, $0x38;
	[tilespmem:$0x10200] =	vst v63  }
0x5c: {  	s31 =	sand.u32 $0x1FFFFFF0, s28;
	s28 =	spop (v2sf);
	s29 =	sadd.s32 s3, s25  }
0x5d: {  	(v2sf) =	vpush v0, $0xD;
	[tilespmem:s26], [sflag:$0x1] =	stream.linear.gather [hbm4b:s29+s21], $0x80, $0x38;
	[tilespmem:$0x10200] =	vst v63  }
0x5e: {  	s14 =	sadd.s32 s3, s31;
	s16 =	sand.u32 $0x1FFFFFF0, s28;
	s30 =	spop (v2sf)  }
0x5f: {  	(v2sf) =	vpush v0, $0xE;
	[tilespmem:s8], [sflag:$0x1] =	stream.linear.gather [hbm4b:s14+s21], $0x80, $0x38;
	[tilespmem:$0x10200] =	vst v63  }
0x60: {  	s16 =	sadd.s32 s3, s16;
	s31 =	sand.u32 $0x1FFFFFF0, s30;
	s18 =	spop (v2sf)  }
0x61: {  	(v2sf) =	vpush v0, $0xF;
	[tilespmem:s5], [sflag:$0x1] =	stream.linear.gather [hbm4b:s16+s21], $0x80, $0x38;
	[tilespmem:$0x10200] =	vst v63  }
0x62: {  	s25 =	sand.u32 $0x1FFFFFF0, s18;
	s26 =	spop (v2sf);
	s8 =	sadd.s32 s3, s31  }
0x63: {  	[tilespmem:s12], [sflag:$0x1] =	stream.linear.gather [hbm4b:s8+s21], $0x80, $0x38;
	[tilespmem:$0x10200] =	vst v63  }
0x64: {  	s28 =	sand.u32 $0x1FFFFFF0, s26;
	s5 =	sadd.s32 s3, s25;
	s29 =	spop (v2sf)  }
0x65: {  	[tilespmem:s4], [sflag:$0x1] =	stream.linear.gather [hbm4b:s5+s21], $0x80, $0x38;
	[tilespmem:$0x10200] =	vst v63  }
0x66: {  	s8 =	sadd.s32 s3, s28;
	s30 =	sand.u32 $0x1FFFFFF0, s29;
	s31 =	spop (v2sf)  }
0x67: {  	[tilespmem:s6], [sflag:$0x1] =	stream.linear.gather [hbm4b:s8+s21], $0x80, $0x38;
	[tilespmem:$0x10200] =	vst v63  }
0x68: {  	s5 =	sand.u32 $0x1FFFFFF0, s31;
	s4 =	sadd.s32 s3, s30;
	s12 =	spop (v2sf)  }
0x69: {  	[tilespmem:s1], [sflag:$0x1] =	stream.linear.gather [hbm4b:s4+s21], $0x80, $0x38;
	[tilespmem:$0x10200] =	vst v63  }
0x6a: {  	s5 =	sadd.s32 s3, s5;
	s14 =	sand.u32 $0x1FFFFFF0, s12;
	s16 =	spop (v2sf)  }
0x6b: {  	[tilespmem:s7], [sflag:$0x1] =	stream.linear.gather [hbm4b:s5+s21], $0x80, $0x38;
	[tilespmem:$0x10200] =	vst v63  }
0x6c: {  	s1 =	sadd.s32 s3, s14;
	s4 =	sand.u32 $0x1FFFFFF0, s16;
	s18 =	spop (v2sf)  }
0x6d: {  	[tilespmem:s24], [sflag:$0x1] =	stream.linear.gather [hbm4b:s1+s21], $0x80, $0x38;
	[tilespmem:$0x10200] =	vst v63  }
0x6e: {  	s4 =	sadd.s32 s3, s4;
	s25 =	spop (v2sf);
	s24 =	sand.u32 $0x1FFFFFF0, s18  }
0x6f: {  	[tilespmem:s0], [sflag:$0x1] =	stream.linear.gather [hbm4b:s4+s21], $0x80, $0x38;
	[tilespmem:$0x10200] =	vst v63  }
0x70: {  	s26 =	sand.u32 $0x1FFFFFF0, s25;
	s28 =	spop (v2sf);
	s1 =	sadd.s32 s3, s24  }
0x71: {  	[tilespmem:s23], [sflag:$0x1] =	stream.linear.gather [hbm4b:s1+s21], $0x80, $0x38;
	[tilespmem:$0x10200] =	vst v63  }
0x72: {  	s30 =	sadd.s32 $0x900, s22;
	s29 =	sand.u32 $0x1FFFFFF0, s28;
	s0 =	sadd.s32 s3, s26  }
0x73: {  	[tilespmem:s30], [sflag:$0x1] =	stream.linear.gather [hbm4b:s0+s21], $0x80, $0x38;
	[tilespmem:$0x10200] =	vst v63  }
0x74: {  	s31 =	sadd.s32 $0x980, s22;
	s1 =	sadd.s32 s3, s29;
	s23 =	simm.s32 $0x80  }
0x75: {  	[tilespmem:s31], [sflag:$0x1] =	stream.linear.gather [hbm4b:s1+s21], $0x80, $0x38;
	[tilespmem:$0x10200] =	vst v63  }
0x76: {  	v0 =	vld [tilespmem:s23+$0x0];
	_ =	sdelay $0x4  }
0x77: {  	v0 =	vshll.u32 v0, $0x4  }
0x78: {  	(v2sf) =	vpush v0, $0x0  }
0x79: {  	(v2sf) =	vpush v0, $0x1  }
0x7a: {  	(v2sf) =	vpush v0, $0x2;
	_ =	sdelay $0x1  }
0x7b: {  	(v2sf) =	vpush v0, $0x4;
	_ =	sdelay $0x1  }
0x7c: {  	(v2sf) =	vpush v0, $0x3  }
0x7d: {  	(v2sf) =	vpush v0, $0x5  }
0x7e: {  	s22 =	simm.s32 $0x0;
	s24 =	simm.s32 $0x2000;
	(v2sf) =	vpush v0, $0x6  }
.LBB2_4:
0x7f: {  	p0 =	sne.s32 s24, $0xE000  }
0x80: {  	s4 =	sadd.s32 $0x4280, s22;
	s29 =	sadd.s32 $0x4780, s22;
	s25 =	smov.u32 s24  }
0x81: {  	s24 =	sadd.s32 $0x2000, s24;
	s31 =	sadd.s32 $0x4580, s22;
	s26 =	sadd.s32 $0x4800, s22;
	(v2sf) =	vpush v0, $0x7  }
0x82: {  	s12 =	sadd.s32 $0x4480, s22;
	s0 =	sadd.s32 $0x4600, s22;
	s28 =	sadd.s32 $0x4880, s22  }
0x83: {  	s5 =	sadd.s32 $0x4200, s22;
	s6 =	sadd.s32 $0x4400, s22;
	(v2sf) =	vpush v0, $0x8  }
0x84: {  	s7 =	sadd.s32 $0x4500, s22;
	s23 =	sadd.s32 $0x10, s23  }
0x85: {  	s8 =	sadd.s32 $0x4300, s22;
	s30 =	sadd.s32 $0x4700, s22;
	s1 =	spop (v2sf);
	(v2sf) =	vpush v0, $0x9  }
0x86: {  	s14 =	sand.u32 $0x1FFFFFF0, s1;
	s1 =	sadd.s32 $0x4680, s22;
	s16 =	spop (v2sf)  }
0x87: {  	s14 =	sadd.s32 s3, s14;
	s16 =	sand.u32 $0x1FFFFFF0, s16;
	s18 =	spop (v2sf);
	(v2sf) =	vpush v0, $0xA  }
0x88: {  	[tilespmem:s5], [sflag:$0x2] =	stream.linear.gather [hbm4b:s14+s21], $0x80, $0x38;
	[tilespmem:$0x10200] =	vst v63  }
0x89: {  	s5 =	sadd.s32 s3, s16;
	s14 =	sadd.s32 $0x4380, s22;
	s16 =	spop (v2sf);
	(v2sf) =	vpush v0, $0xB  }
0x8a: {  	[tilespmem:s4], [sflag:$0x2] =	stream.linear.gather [hbm4b:s5+s21], $0x80, $0x38;
	[tilespmem:$0x10200] =	vst v63  }
0x8b: {  	s4 =	sand.u32 $0x1FFFFFF0, s18;
	s5 =	sand.u32 $0x1FFFFFF0, s16;
	s16 =	spop (v2sf);
	(v2sf) =	vpush v0, $0xC  }
0x8c: {  	s4 =	sadd.s32 s3, s4;
	s16 =	sand.u32 $0x1FFFFFF0, s16;
	s18 =	spop (v2sf)  }
0x8d: {  	[tilespmem:s8], [sflag:$0x2] =	stream.linear.gather [hbm4b:s4+s21], $0x80, $0x38;
	(v2sf) =	vpush v0, $0xD;
	[tilespmem:$0x10200] =	vst v63  }
0x8e: {  	s4 =	sadd.s32 s3, s16;
	s8 =	sand.u32 $0x1FFFFFF0, s18;
	s16 =	spop (v2sf)  }
0x8f: {  	[tilespmem:s14], [sflag:$0x2] =	stream.linear.gather [hbm4b:s4+s21], $0x80, $0x38;
	(v2sf) =	vpush v0, $0xE;
	[tilespmem:$0x10200] =	vst v63  }
0x90: {  	s4 =	sadd.s32 s3, s5;
	s5 =	sand.u32 $0x1FFFFFF0, s16;
	s14 =	spop (v2sf)  }
0x91: {  	[tilespmem:s6], [sflag:$0x2] =	stream.linear.gather [hbm4b:s4+s21], $0x80, $0x38;
	(v2sf) =	vpush v0, $0xF;
	[tilespmem:$0x10200] =	vst v63  }
0x92: {  	s4 =	sadd.s32 s3, s8;
	s6 =	sand.u32 $0x1FFFFFF0, s14;
	s8 =	spop (v2sf)  }
0x93: {  	[tilespmem:s12], [sflag:$0x2] =	stream.linear.gather [hbm4b:s4+s21], $0x80, $0x38;
	[tilespmem:$0x10200] =	vst v63  }
0x94: {  	s4 =	sadd.s32 s3, s5;
	s5 =	sand.u32 $0x1FFFFFF0, s8;
	s8 =	spop (v2sf)  }
0x95: {  	[tilespmem:s7], [sflag:$0x2] =	stream.linear.gather [hbm4b:s4+s21], $0x80, $0x38;
	[tilespmem:$0x10200] =	vst v63  }
0x96: {  	s4 =	sadd.s32 s3, s6;
	s6 =	sand.u32 $0x1FFFFFF0, s8;
	s7 =	spop (v2sf)  }
0x97: {  	[tilespmem:s31], [sflag:$0x2] =	stream.linear.gather [hbm4b:s4+s21], $0x80, $0x38;
	[tilespmem:$0x10200] =	vst v63  }
0x98: {  	s4 =	sadd.s32 s3, s5;
	s5 =	sand.u32 $0x1FFFFFF0, s7;
	s7 =	spop (v2sf)  }
0x99: {  	[tilespmem:s0], [sflag:$0x2] =	stream.linear.gather [hbm4b:s4+s21], $0x80, $0x38;
	[tilespmem:$0x10200] =	vst v63  }
0x9a: {  	s0 =	sadd.s32 s3, s6;
	s4 =	sand.u32 $0x1FFFFFF0, s7;
	s6 =	spop (v2sf)  }
0x9b: {  	[tilespmem:s1], [sflag:$0x2] =	stream.linear.gather [hbm4b:s0+s21], $0x80, $0x38;
	[tilespmem:$0x10200] =	vst v63  }
0x9c: {  	s0 =	sadd.s32 s3, s5;
	s1 =	sand.u32 $0x1FFFFFF0, s6;
	s5 =	spop (v2sf)  }
0x9d: {  	[tilespmem:s30], [sflag:$0x2] =	stream.linear.gather [hbm4b:s0+s21], $0x80, $0x38;
	[tilespmem:$0x10200] =	vst v63  }
0x9e: {  	s0 =	sadd.s32 s3, s4;
	s4 =	sand.u32 $0x1FFFFFF0, s5;
	s5 =	spop (v2sf)  }
0x9f: {  	[tilespmem:s29], [sflag:$0x2] =	stream.linear.gather [hbm4b:s0+s21], $0x80, $0x38;
	[tilespmem:$0x10200] =	vst v63  }
0xa0: {  	s0 =	sadd.s32 s3, s1;
	s1 =	sand.u32 $0x1FFFFFF0, s5;
	s5 =	spop (v2sf)  }
0xa1: {  	[tilespmem:s26], [sflag:$0x2] =	stream.linear.gather [hbm4b:s0+s21], $0x80, $0x38;
	[tilespmem:$0x10200] =	vst v63  }
0xa2: {  	s0 =	sadd.s32 s3, s4;
	s4 =	sand.u32 $0x1FFFFFF0, s5  }
0xa3: {  	[tilespmem:s28], [sflag:$0x2] =	stream.linear.gather [hbm4b:s0+s21], $0x80, $0x38;
	[tilespmem:$0x10200] =	vst v63  }
0xa4: {  	s1 =	sadd.s32 s3, s1;
	s0 =	sadd.s32 $0x4900, s22  }
0xa5: {  	[tilespmem:s0], [sflag:$0x2] =	stream.linear.gather [hbm4b:s1+s21], $0x80, $0x38;
	[tilespmem:$0x10200] =	vst v63  }
0xa6: {  	s0 =	sadd.s32 $0x4980, s22;
	s1 =	sadd.s32 s3, s4  }
0xa7: {  	[tilespmem:s0], [sflag:$0x2] =	stream.linear.gather [hbm4b:s1+s21], $0x80, $0x38;
	[tilespmem:$0x10200] =	vst v63  }
0xa8: {  	v0 =	vld [tilespmem:s23+$0x0];
	_ =	sdelay $0x4  }
0xa9: {  	v0 =	vshll.u32 v0, $0x4  }
0xaa: {  	(v2sf) =	vpush v0, $0x0  }
0xab: {  	(v2sf) =	vpush v0, $0x1  }
0xac: {  	(v2sf) =	vpush v0, $0x2;
	_ =	sdelay $0x1  }
0xad: {  	(v2sf) =	vpush v0, $0x4  }
.Ltmp1:
0xae: {  	(pc) =	sbr.rel @p0 .LBB2_4-.Ltmp1, $3  }
0xaf: {  	(v2sf) =	vpush v0, $0x3  }
0xb0: {  	(v2sf) =	vpush v0, $0x5;
	_ =	sdelay $0x1  }
0xb1: {  	s22 =	sshra.s32 s25, $0x2;
	(v2sf) =	vpush v0, $0x6  }
0xb2: {  	_ =	sdelay $0x1  }
0xb3: {  	s1 =	sadd.s32 $0x4280, s22;
	s24 =	sadd.s32 $0x4780, s22  }
0xb4: {  	s4 =	sadd.s32 $0x4580, s22;
	s0 =	sadd.s32 $0x4800, s22;
	(v2sf) =	vpush v0, $0x7;
	s5 =	sadd.s32 $0x4480, s22  }
0xb5: {  	s6 =	sadd.s32 $0x4600, s22;
	s23 =	sadd.s32 $0x4880, s22;
	s7 =	sadd.s32 $0x4200, s22  }
0xb6: {  	s8 =	sadd.s32 $0x4400, s22;
	s12 =	sadd.s32 $0x4500, s22;
	(v2sf) =	vpush v0, $0x8;
	s14 =	spop (v2sf)  }
0xb7: {  	s16 =	sadd.s32 $0x4300, s22;
	s14 =	sand.u32 $0x1FFFFFF0, s14;
	s18 =	spop (v2sf)  }
0xb8: {  	(v2sf) =	vpush v0, $0x9;
	s14 =	sadd.s32 s3, s14;
	s18 =	sand.u32 $0x1FFFFFF0, s18;
	s25 =	spop (v2sf)  }
0xb9: {  	[tilespmem:s7], [sflag:$0x2] =	stream.linear.gather [hbm4b:s14+s21], $0x80, $0x38;
	[tilespmem:$0x10200] =	vst v63  }
0xba: {  	(v2sf) =	vpush v0, $0xA;
	s26 =	sadd.s32 s3, s18;
	s29 =	sand.u32 $0x1FFFFFF0, s25;
	s28 =	spop (v2sf)  }
0xbb: {  	[tilespmem:s1], [sflag:$0x2] =	stream.linear.gather [hbm4b:s26+s21], $0x80, $0x38;
	[tilespmem:$0x10200] =	vst v63  }
0xbc: {  	s7 =	sadd.s32 $0x4700, s22;
	(v2sf) =	vpush v0, $0xB;
	s14 =	sadd.s32 s3, s29;
	s30 =	spop (v2sf)  }
0xbd: {  	s1 =	sadd.s32 $0x4680, s22;
	s26 =	sadd.s32 $0x4380, s22;
	s25 =	sand.u32 $0x1FFFFFF0, s30  }
0xbe: {  	(v2sf) =	vpush v0, $0xC;
	[tilespmem:s16], [sflag:$0x2] =	stream.linear.gather [hbm4b:s14+s21], $0x80, $0x38;
	[tilespmem:$0x10200] =	vst v63  }
0xbf: {  	s31 =	sand.u32 $0x1FFFFFF0, s28;
	s28 =	spop (v2sf);
	s29 =	sadd.s32 s3, s25  }
0xc0: {  	(v2sf) =	vpush v0, $0xD;
	[tilespmem:s26], [sflag:$0x2] =	stream.linear.gather [hbm4b:s29+s21], $0x80, $0x38;
	[tilespmem:$0x10200] =	vst v63  }
0xc1: {  	s14 =	sadd.s32 s3, s31;
	s16 =	sand.u32 $0x1FFFFFF0, s28;
	s30 =	spop (v2sf)  }
0xc2: {  	(v2sf) =	vpush v0, $0xE;
	[tilespmem:s8], [sflag:$0x2] =	stream.linear.gather [hbm4b:s14+s21], $0x80, $0x38;
	[tilespmem:$0x10200] =	vst v63  }
0xc3: {  	s16 =	sadd.s32 s3, s16;
	s31 =	sand.u32 $0x1FFFFFF0, s30;
	s18 =	spop (v2sf)  }
0xc4: {  	(v2sf) =	vpush v0, $0xF;
	[tilespmem:s5], [sflag:$0x2] =	stream.linear.gather [hbm4b:s16+s21], $0x80, $0x38;
	[tilespmem:$0x10200] =	vst v63  }
0xc5: {  	s25 =	sand.u32 $0x1FFFFFF0, s18;
	s26 =	spop (v2sf);
	s8 =	sadd.s32 s3, s31  }
0xc6: {  	[tilespmem:s12], [sflag:$0x2] =	stream.linear.gather [hbm4b:s8+s21], $0x80, $0x38;
	[tilespmem:$0x10200] =	vst v63  }
0xc7: {  	s28 =	sand.u32 $0x1FFFFFF0, s26;
	s5 =	sadd.s32 s3, s25;
	s29 =	spop (v2sf)  }
0xc8: {  	[tilespmem:s4], [sflag:$0x2] =	stream.linear.gather [hbm4b:s5+s21], $0x80, $0x38;
	[tilespmem:$0x10200] =	vst v63  }
0xc9: {  	s8 =	sadd.s32 s3, s28;
	s30 =	sand.u32 $0x1FFFFFF0, s29;
	s31 =	spop (v2sf)  }
0xca: {  	[tilespmem:s6], [sflag:$0x2] =	stream.linear.gather [hbm4b:s8+s21], $0x80, $0x38;
	[tilespmem:$0x10200] =	vst v63  }
0xcb: {  	s5 =	sand.u32 $0x1FFFFFF0, s31;
	s4 =	sadd.s32 s3, s30;
	s12 =	spop (v2sf)  }
0xcc: {  	[tilespmem:s1], [sflag:$0x2] =	stream.linear.gather [hbm4b:s4+s21], $0x80, $0x38;
	[tilespmem:$0x10200] =	vst v63  }
0xcd: {  	s5 =	sadd.s32 s3, s5;
	s14 =	sand.u32 $0x1FFFFFF0, s12;
	s16 =	spop (v2sf)  }
0xce: {  	[tilespmem:s7], [sflag:$0x2] =	stream.linear.gather [hbm4b:s5+s21], $0x80, $0x38;
	[tilespmem:$0x10200] =	vst v63  }
0xcf: {  	s1 =	sadd.s32 s3, s14;
	s4 =	sand.u32 $0x1FFFFFF0, s16;
	s18 =	spop (v2sf)  }
0xd0: {  	[tilespmem:s24], [sflag:$0x2] =	stream.linear.gather [hbm4b:s1+s21], $0x80, $0x38;
	[tilespmem:$0x10200] =	vst v63  }
0xd1: {  	s4 =	sadd.s32 s3, s4;
	s25 =	spop (v2sf);
	s24 =	sand.u32 $0x1FFFFFF0, s18  }
0xd2: {  	[tilespmem:s0], [sflag:$0x2] =	stream.linear.gather [hbm4b:s4+s21], $0x80, $0x38;
	[tilespmem:$0x10200] =	vst v63  }
0xd3: {  	s26 =	sand.u32 $0x1FFFFFF0, s25;
	s28 =	spop (v2sf);
	s1 =	sadd.s32 s3, s24  }
0xd4: {  	[tilespmem:s23], [sflag:$0x2] =	stream.linear.gather [hbm4b:s1+s21], $0x80, $0x38;
	[tilespmem:$0x10200] =	vst v63  }
0xd5: {  	s30 =	sadd.s32 $0x4900, s22;
	s29 =	sand.u32 $0x1FFFFFF0, s28;
	s0 =	sadd.s32 s3, s26  }
0xd6: {  	[tilespmem:s30], [sflag:$0x2] =	stream.linear.gather [hbm4b:s0+s21], $0x80, $0x38;
	[tilespmem:$0x10200] =	vst v63  }
0xd7: {  	s31 =	sadd.s32 $0x4980, s22;
	s1 =	sadd.s32 s3, s29;
	s23 =	simm.s32 $0x100  }
0xd8: {  	[tilespmem:s31], [sflag:$0x2] =	stream.linear.gather [hbm4b:s1+s21], $0x80, $0x38;
	[tilespmem:$0x10200] =	vst v63  }
0xd9: {  	v0 =	vld [tilespmem:s23+$0x0];
	_ =	sdelay $0x4  }
0xda: {  	v0 =	vshll.u32 v0, $0x4  }
0xdb: {  	(v2sf) =	vpush v0, $0x0  }
0xdc: {  	(v2sf) =	vpush v0, $0x1  }
0xdd: {  	(v2sf) =	vpush v0, $0x2;
	_ =	sdelay $0x1  }
0xde: {  	(v2sf) =	vpush v0, $0x4;
	_ =	sdelay $0x1  }
0xdf: {  	(v2sf) =	vpush v0, $0x3  }
0xe0: {  	(v2sf) =	vpush v0, $0x5  }
0xe1: {  	s22 =	simm.s32 $0x0;
	s24 =	simm.s32 $0x2000;
	(v2sf) =	vpush v0, $0x6  }
.LBB2_6:
0xe2: {  	p0 =	sne.s32 s24, $0xE000  }
0xe3: {  	s4 =	sadd.s32 $0x8280, s22;
	s29 =	sadd.s32 $0x8780, s22;
	s25 =	smov.u32 s24  }
0xe4: {  	s24 =	sadd.s32 $0x2000, s24;
	s0 =	sadd.s32 $0x8580, s22;
	s26 =	sadd.s32 $0x8800, s22;
	(v2sf) =	vpush v0, $0x7  }
0xe5: {  	s12 =	sadd.s32 $0x8480, s22;
	s30 =	sadd.s32 $0x8600, s22;
	s28 =	sadd.s32 $0x8880, s22  }
0xe6: {  	s5 =	sadd.s32 $0x8200, s22;
	s6 =	sadd.s32 $0x8400, s22;
	(v2sf) =	vpush v0, $0x8  }
0xe7: {  	s21 =	simm.s32 $0x0;
	s7 =	sadd.s32 $0x8500, s22;
	s23 =	sadd.s32 $0x10, s23  }
0xe8: {  	s8 =	sadd.s32 $0x8300, s22;
	s31 =	sadd.s32 $0x8700, s22;
	s1 =	spop (v2sf);
	(v2sf) =	vpush v0, $0x9  }
0xe9: {  	s14 =	sand.u32 $0x1FFFFFF0, s1;
	s1 =	sadd.s32 $0x8680, s22;
	s16 =	spop (v2sf)  }
0xea: {  	s14 =	sadd.s32 s3, s14;
	s16 =	sand.u32 $0x1FFFFFF0, s16;
	s18 =	spop (v2sf);
	(v2sf) =	vpush v0, $0xA  }
0xeb: {  	[tilespmem:s5], [sflag:$0x3] =	stream.linear.gather [hbm4b:s14+s21], $0x80, $0x38;
	[tilespmem:$0x10200] =	vst v63  }
0xec: {  	s5 =	sadd.s32 s3, s16;
	s14 =	sadd.s32 $0x8380, s22;
	s16 =	spop (v2sf);
	(v2sf) =	vpush v0, $0xB  }
0xed: {  	[tilespmem:s4], [sflag:$0x3] =	stream.linear.gather [hbm4b:s5+s21], $0x80, $0x38;
	[tilespmem:$0x10200] =	vst v63  }
0xee: {  	s4 =	sand.u32 $0x1FFFFFF0, s18;
	s5 =	sand.u32 $0x1FFFFFF0, s16;
	s16 =	spop (v2sf);
	(v2sf) =	vpush v0, $0xC  }
0xef: {  	s4 =	sadd.s32 s3, s4;
	s16 =	sand.u32 $0x1FFFFFF0, s16;
	s18 =	spop (v2sf)  }
0xf0: {  	[tilespmem:s8], [sflag:$0x3] =	stream.linear.gather [hbm4b:s4+s21], $0x80, $0x38;
	(v2sf) =	vpush v0, $0xD;
	[tilespmem:$0x10200] =	vst v63  }
0xf1: {  	s4 =	sadd.s32 s3, s16;
	s8 =	sand.u32 $0x1FFFFFF0, s18;
	s16 =	spop (v2sf)  }
0xf2: {  	[tilespmem:s14], [sflag:$0x3] =	stream.linear.gather [hbm4b:s4+s21], $0x80, $0x38;
	(v2sf) =	vpush v0, $0xE;
	[tilespmem:$0x10200] =	vst v63  }
0xf3: {  	s4 =	sadd.s32 s3, s5;
	s5 =	sand.u32 $0x1FFFFFF0, s16;
	s14 =	spop (v2sf)  }
0xf4: {  	[tilespmem:s6], [sflag:$0x3] =	stream.linear.gather [hbm4b:s4+s21], $0x80, $0x38;
	(v2sf) =	vpush v0, $0xF;
	[tilespmem:$0x10200] =	vst v63  }
0xf5: {  	s4 =	sadd.s32 s3, s8;
	s6 =	sand.u32 $0x1FFFFFF0, s14;
	s8 =	spop (v2sf)  }
0xf6: {  	[tilespmem:s12], [sflag:$0x3] =	stream.linear.gather [hbm4b:s4+s21], $0x80, $0x38;
	[tilespmem:$0x10200] =	vst v63  }
0xf7: {  	s4 =	sadd.s32 s3, s5;
	s5 =	sand.u32 $0x1FFFFFF0, s8;
	s8 =	spop (v2sf)  }
0xf8: {  	[tilespmem:s7], [sflag:$0x3] =	stream.linear.gather [hbm4b:s4+s21], $0x80, $0x38;
	[tilespmem:$0x10200] =	vst v63  }
0xf9: {  	s4 =	sadd.s32 s3, s6;
	s6 =	sand.u32 $0x1FFFFFF0, s8;
	s7 =	spop (v2sf)  }
0xfa: {  	[tilespmem:s0], [sflag:$0x3] =	stream.linear.gather [hbm4b:s4+s21], $0x80, $0x38;
	[tilespmem:$0x10200] =	vst v63  }
0xfb: {  	s0 =	sadd.s32 s3, s5;
	s4 =	sand.u32 $0x1FFFFFF0, s7;
	s5 =	spop (v2sf)  }
0xfc: {  	[tilespmem:s30], [sflag:$0x3] =	stream.linear.gather [hbm4b:s0+s21], $0x80, $0x38;
	[tilespmem:$0x10200] =	vst v63  }
0xfd: {  	s0 =	sadd.s32 s3, s6;
	s5 =	sand.u32 $0x1FFFFFF0, s5;
	s6 =	spop (v2sf)  }
0xfe: {  	[tilespmem:s1], [sflag:$0x3] =	stream.linear.gather [hbm4b:s0+s21], $0x80, $0x38;
	[tilespmem:$0x10200] =	vst v63  }
0xff: {  	s0 =	sadd.s32 s3, s4;
	s1 =	sand.u32 $0x1FFFFFF0, s6;
	s4 =	spop (v2sf)  }
0x100: {  	[tilespmem:s31], [sflag:$0x3] =	stream.linear.gather [hbm4b:s0+s21], $0x80, $0x38;
	[tilespmem:$0x10200] =	vst v63  }
0x101: {  	s0 =	sadd.s32 s3, s5;
	s4 =	sand.u32 $0x1FFFFFF0, s4;
	s5 =	spop (v2sf)  }
0x102: {  	[tilespmem:s29], [sflag:$0x3] =	stream.linear.gather [hbm4b:s0+s21], $0x80, $0x38;
	[tilespmem:$0x10200] =	vst v63  }
0x103: {  	s0 =	sadd.s32 s3, s1;
	s1 =	sand.u32 $0x1FFFFFF0, s5;
	s5 =	spop (v2sf)  }
0x104: {  	[tilespmem:s26], [sflag:$0x3] =	stream.linear.gather [hbm4b:s0+s21], $0x80, $0x38;
	[tilespmem:$0x10200] =	vst v63  }
0x105: {  	s0 =	sadd.s32 s3, s4;
	s4 =	sand.u32 $0x1FFFFFF0, s5  }
0x106: {  	[tilespmem:s28], [sflag:$0x3] =	stream.linear.gather [hbm4b:s0+s21], $0x80, $0x38;
	[tilespmem:$0x10200] =	vst v63  }
0x107: {  	s1 =	sadd.s32 s3, s1;
	s0 =	sadd.s32 $0x8900, s22  }
0x108: {  	[tilespmem:s0], [sflag:$0x3] =	stream.linear.gather [hbm4b:s1+s21], $0x80, $0x38;
	[tilespmem:$0x10200] =	vst v63  }
0x109: {  	s0 =	sadd.s32 $0x8980, s22;
	s1 =	sadd.s32 s3, s4  }
0x10a: {  	[tilespmem:s0], [sflag:$0x3] =	stream.linear.gather [hbm4b:s1+s21], $0x80, $0x38;
	[tilespmem:$0x10200] =	vst v63  }
0x10b: {  	v0 =	vld [tilespmem:s23+$0x0];
	_ =	sdelay $0x4  }
0x10c: {  	v0 =	vshll.u32 v0, $0x4  }
0x10d: {  	(v2sf) =	vpush v0, $0x0  }
0x10e: {  	(v2sf) =	vpush v0, $0x1  }
0x10f: {  	(v2sf) =	vpush v0, $0x2;
	_ =	sdelay $0x1  }
0x110: {  	(v2sf) =	vpush v0, $0x4  }
.Ltmp2:
0x111: {  	(pc) =	sbr.rel @p0 .LBB2_6-.Ltmp2, $3  }
0x112: {  	(v2sf) =	vpush v0, $0x3  }
0x113: {  	(v2sf) =	vpush v0, $0x5;
	_ =	sdelay $0x1  }
0x114: {  	s22 =	sshra.s32 s25, $0x2;
	(v2sf) =	vpush v0, $0x6  }
0x115: {  	_ =	sdelay $0x1  }
0x116: {  	s1 =	sadd.s32 $0x8280, s22;
	s24 =	sadd.s32 $0x8780, s22  }
0x117: {  	s4 =	sadd.s32 $0x8580, s22;
	s0 =	sadd.s32 $0x8800, s22;
	(v2sf) =	vpush v0, $0x7;
	s5 =	sadd.s32 $0x8480, s22  }
0x118: {  	s6 =	sadd.s32 $0x8600, s22;
	s23 =	sadd.s32 $0x8880, s22;
	s7 =	sadd.s32 $0x8200, s22  }
0x119: {  	s8 =	sadd.s32 $0x8400, s22;
	s12 =	sadd.s32 $0x8500, s22;
	(v2sf) =	vpush v0, $0x8;
	s14 =	spop (v2sf)  }
0x11a: {  	s16 =	sadd.s32 $0x8300, s22;
	s14 =	sand.u32 $0x1FFFFFF0, s14;
	s18 =	spop (v2sf)  }
0x11b: {  	(v2sf) =	vpush v0, $0x9;
	s14 =	sadd.s32 s3, s14;
	s18 =	sand.u32 $0x1FFFFFF0, s18;
	s25 =	spop (v2sf)  }
0x11c: {  	[tilespmem:s7], [sflag:$0x3] =	stream.linear.gather [hbm4b:s14+s21], $0x80, $0x38;
	[tilespmem:$0x10200] =	vst v63  }
0x11d: {  	(v2sf) =	vpush v0, $0xA;
	s26 =	sadd.s32 s3, s18;
	s29 =	sand.u32 $0x1FFFFFF0, s25;
	s28 =	spop (v2sf)  }
0x11e: {  	[tilespmem:s1], [sflag:$0x3] =	stream.linear.gather [hbm4b:s26+s21], $0x80, $0x38;
	[tilespmem:$0x10200] =	vst v63  }
0x11f: {  	s7 =	sadd.s32 $0x8700, s22;
	(v2sf) =	vpush v0, $0xB;
	s14 =	sadd.s32 s3, s29;
	s30 =	spop (v2sf)  }
0x120: {  	s1 =	sadd.s32 $0x8680, s22;
	s26 =	sadd.s32 $0x8380, s22;
	s25 =	sand.u32 $0x1FFFFFF0, s30  }
0x121: {  	(v2sf) =	vpush v0, $0xC;
	[tilespmem:s16], [sflag:$0x3] =	stream.linear.gather [hbm4b:s14+s21], $0x80, $0x38;
	[tilespmem:$0x10200] =	vst v63  }
0x122: {  	s31 =	sand.u32 $0x1FFFFFF0, s28;
	s28 =	spop (v2sf);
	s29 =	sadd.s32 s3, s25  }
0x123: {  	(v2sf) =	vpush v0, $0xD;
	[tilespmem:s26], [sflag:$0x3] =	stream.linear.gather [hbm4b:s29+s21], $0x80, $0x38;
	[tilespmem:$0x10200] =	vst v63  }
0x124: {  	s14 =	sadd.s32 s3, s31;
	s16 =	sand.u32 $0x1FFFFFF0, s28;
	s30 =	spop (v2sf)  }
0x125: {  	(v2sf) =	vpush v0, $0xE;
	[tilespmem:s8], [sflag:$0x3] =	stream.linear.gather [hbm4b:s14+s21], $0x80, $0x38;
	[tilespmem:$0x10200] =	vst v63  }
0x126: {  	s16 =	sadd.s32 s3, s16;
	s31 =	sand.u32 $0x1FFFFFF0, s30;
	s18 =	spop (v2sf)  }
0x127: {  	(v2sf) =	vpush v0, $0xF;
	[tilespmem:s5], [sflag:$0x3] =	stream.linear.gather [hbm4b:s16+s21], $0x80, $0x38;
	[tilespmem:$0x10200] =	vst v63  }
0x128: {  	s25 =	sand.u32 $0x1FFFFFF0, s18;
	s26 =	spop (v2sf);
	s8 =	sadd.s32 s3, s31  }
0x129: {  	[tilespmem:s12], [sflag:$0x3] =	stream.linear.gather [hbm4b:s8+s21], $0x80, $0x38;
	[tilespmem:$0x10200] =	vst v63  }
0x12a: {  	s28 =	sand.u32 $0x1FFFFFF0, s26;
	s5 =	sadd.s32 s3, s25;
	s29 =	spop (v2sf)  }
0x12b: {  	[tilespmem:s4], [sflag:$0x3] =	stream.linear.gather [hbm4b:s5+s21], $0x80, $0x38;
	[tilespmem:$0x10200] =	vst v63  }
0x12c: {  	s8 =	sadd.s32 s3, s28;
	s30 =	sand.u32 $0x1FFFFFF0, s29;
	s31 =	spop (v2sf)  }
0x12d: {  	[tilespmem:s6], [sflag:$0x3] =	stream.linear.gather [hbm4b:s8+s21], $0x80, $0x38;
	[tilespmem:$0x10200] =	vst v63  }
0x12e: {  	s5 =	sand.u32 $0x1FFFFFF0, s31;
	s4 =	sadd.s32 s3, s30;
	s12 =	spop (v2sf)  }
0x12f: {  	[tilespmem:s1], [sflag:$0x3] =	stream.linear.gather [hbm4b:s4+s21], $0x80, $0x38;
	[tilespmem:$0x10200] =	vst v63  }
0x130: {  	s5 =	sadd.s32 s3, s5;
	s14 =	sand.u32 $0x1FFFFFF0, s12;
	s16 =	spop (v2sf)  }
0x131: {  	[tilespmem:s7], [sflag:$0x3] =	stream.linear.gather [hbm4b:s5+s21], $0x80, $0x38;
	[tilespmem:$0x10200] =	vst v63  }
0x132: {  	s1 =	sadd.s32 s3, s14;
	s4 =	sand.u32 $0x1FFFFFF0, s16;
	s18 =	spop (v2sf)  }
0x133: {  	[tilespmem:s24], [sflag:$0x3] =	stream.linear.gather [hbm4b:s1+s21], $0x80, $0x38;
	[tilespmem:$0x10200] =	vst v63  }
0x134: {  	s4 =	sadd.s32 s3, s4;
	s25 =	spop (v2sf);
	s24 =	sand.u32 $0x1FFFFFF0, s18  }
0x135: {  	[tilespmem:s0], [sflag:$0x3] =	stream.linear.gather [hbm4b:s4+s21], $0x80, $0x38;
	[tilespmem:$0x10200] =	vst v63  }
0x136: {  	s26 =	sand.u32 $0x1FFFFFF0, s25;
	s28 =	spop (v2sf);
	s1 =	sadd.s32 s3, s24  }
0x137: {  	[tilespmem:s23], [sflag:$0x3] =	stream.linear.gather [hbm4b:s1+s21], $0x80, $0x38;
	[tilespmem:$0x10200] =	vst v63  }
0x138: {  	s30 =	sadd.s32 $0x8900, s22;
	s29 =	sand.u32 $0x1FFFFFF0, s28;
	s0 =	sadd.s32 s3, s26  }
0x139: {  	[tilespmem:s30], [sflag:$0x3] =	stream.linear.gather [hbm4b:s0+s21], $0x80, $0x38;
	[tilespmem:$0x10200] =	vst v63  }
0x13a: {  	s31 =	sadd.s32 $0x8980, s22;
	s22 =	simm.s32 $0x180;
	s1 =	sadd.s32 s3, s29  }
0x13b: {  	[tilespmem:s31], [sflag:$0x3] =	stream.linear.gather [hbm4b:s1+s21], $0x80, $0x38;
	[tilespmem:$0x10200] =	vst v63  }
0x13c: {  	v0 =	vld [tilespmem:s22+$0x0];
	_ =	sdelay $0x4  }
0x13d: {  	v0 =	vshll.u32 v0, $0x4  }
0x13e: {  	(v2sf) =	vpush v0, $0x0  }
0x13f: {  	(v2sf) =	vpush v0, $0x1  }
0x140: {  	(v2sf) =	vpush v0, $0x2;
	_ =	sdelay $0x1  }
0x141: {  	(v2sf) =	vpush v0, $0x4;
	_ =	sdelay $0x1  }
0x142: {  	(v2sf) =	vpush v0, $0x3  }
0x143: {  	(v2sf) =	vpush v0, $0x5  }
0x144: {  	s23 =	simm.s32 $0x2000;
	s21 =	simm.s32 $0x0;
	(v2sf) =	vpush v0, $0x6  }
.LBB2_8:
0x145: {  	p0 =	sne.s32 s23, $0xE000  }
0x146: {  	s4 =	sadd.s32 $0xC280, s21;
	s28 =	sadd.s32 $0xC780, s21;
	s24 =	smov.u32 s23  }
0x147: {  	s23 =	sadd.s32 $0x2000, s23;
	s30 =	sadd.s32 $0xC580, s21;
	s25 =	sadd.s32 $0xC800, s21;
	(v2sf) =	vpush v0, $0x7  }
0x148: {  	s12 =	sadd.s32 $0xC480, s21;
	s0 =	sadd.s32 $0xC600, s21;
	s26 =	sadd.s32 $0xC880, s21  }
0x149: {  	s5 =	sadd.s32 $0xC200, s21;
	s6 =	sadd.s32 $0xC400, s21;
	(v2sf) =	vpush v0, $0x8  }
0x14a: {  	s7 =	sadd.s32 $0xC500, s21;
	s22 =	sadd.s32 $0x10, s22  }
0x14b: {  	s8 =	sadd.s32 $0xC300, s21;
	s29 =	sadd.s32 $0xC700, s21;
	s1 =	spop (v2sf);
	(v2sf) =	vpush v0, $0x9  }
0x14c: {  	s14 =	sand.u32 $0x1FFFFFF0, s1;
	s1 =	sadd.s32 $0xC680, s21;
	s16 =	spop (v2sf)  }
0x14d: {  	s14 =	sadd.s32 s3, s14;
	s16 =	sand.u32 $0x1FFFFFF0, s16;
	s18 =	spop (v2sf);
	(v2sf) =	vpush v0, $0xA  }
0x14e: {  	[tilespmem:s5], [sflag:$0x4] =	stream.linear.gather [hbm4b:s14+s2], $0x80, $0x38;
	[tilespmem:$0x10200] =	vst v63  }
0x14f: {  	s5 =	sadd.s32 s3, s16;
	s14 =	sadd.s32 $0xC380, s21;
	s16 =	spop (v2sf);
	(v2sf) =	vpush v0, $0xB  }
0x150: {  	[tilespmem:s4], [sflag:$0x4] =	stream.linear.gather [hbm4b:s5+s2], $0x80, $0x38;
	[tilespmem:$0x10200] =	vst v63  }
0x151: {  	s4 =	sand.u32 $0x1FFFFFF0, s18;
	s5 =	sand.u32 $0x1FFFFFF0, s16;
	s16 =	spop (v2sf);
	(v2sf) =	vpush v0, $0xC  }
0x152: {  	s4 =	sadd.s32 s3, s4;
	s16 =	sand.u32 $0x1FFFFFF0, s16;
	s18 =	spop (v2sf)  }
0x153: {  	[tilespmem:s8], [sflag:$0x4] =	stream.linear.gather [hbm4b:s4+s2], $0x80, $0x38;
	(v2sf) =	vpush v0, $0xD;
	[tilespmem:$0x10200] =	vst v63  }
0x154: {  	s4 =	sadd.s32 s3, s16;
	s8 =	sand.u32 $0x1FFFFFF0, s18;
	s16 =	spop (v2sf)  }
0x155: {  	[tilespmem:s14], [sflag:$0x4] =	stream.linear.gather [hbm4b:s4+s2], $0x80, $0x38;
	(v2sf) =	vpush v0, $0xE;
	[tilespmem:$0x10200] =	vst v63  }
0x156: {  	s4 =	sadd.s32 s3, s5;
	s5 =	sand.u32 $0x1FFFFFF0, s16;
	s14 =	spop (v2sf)  }
0x157: {  	[tilespmem:s6], [sflag:$0x4] =	stream.linear.gather [hbm4b:s4+s2], $0x80, $0x38;
	(v2sf) =	vpush v0, $0xF;
	[tilespmem:$0x10200] =	vst v63  }
0x158: {  	s4 =	sadd.s32 s3, s8;
	s6 =	sand.u32 $0x1FFFFFF0, s14;
	s8 =	spop (v2sf)  }
0x159: {  	[tilespmem:s12], [sflag:$0x4] =	stream.linear.gather [hbm4b:s4+s2], $0x80, $0x38;
	[tilespmem:$0x10200] =	vst v63  }
0x15a: {  	s4 =	sadd.s32 s3, s5;
	s5 =	sand.u32 $0x1FFFFFF0, s8;
	s8 =	spop (v2sf)  }
0x15b: {  	[tilespmem:s7], [sflag:$0x4] =	stream.linear.gather [hbm4b:s4+s2], $0x80, $0x38;
	[tilespmem:$0x10200] =	vst v63  }
0x15c: {  	s4 =	sadd.s32 s3, s6;
	s6 =	sand.u32 $0x1FFFFFF0, s8;
	s7 =	spop (v2sf)  }
0x15d: {  	[tilespmem:s30], [sflag:$0x4] =	stream.linear.gather [hbm4b:s4+s2], $0x80, $0x38;
	[tilespmem:$0x10200] =	vst v63  }
0x15e: {  	s4 =	sadd.s32 s3, s5;
	s5 =	sand.u32 $0x1FFFFFF0, s7;
	s7 =	spop (v2sf)  }
0x15f: {  	[tilespmem:s0], [sflag:$0x4] =	stream.linear.gather [hbm4b:s4+s2], $0x80, $0x38;
	[tilespmem:$0x10200] =	vst v63  }
0x160: {  	s0 =	sadd.s32 s3, s6;
	s4 =	sand.u32 $0x1FFFFFF0, s7;
	s6 =	spop (v2sf)  }
0x161: {  	[tilespmem:s1], [sflag:$0x4] =	stream.linear.gather [hbm4b:s0+s2], $0x80, $0x38;
	[tilespmem:$0x10200] =	vst v63  }
0x162: {  	s0 =	sadd.s32 s3, s5;
	s1 =	sand.u32 $0x1FFFFFF0, s6;
	s5 =	spop (v2sf)  }
0x163: {  	[tilespmem:s29], [sflag:$0x4] =	stream.linear.gather [hbm4b:s0+s2], $0x80, $0x38;
	[tilespmem:$0x10200] =	vst v63  }
0x164: {  	s0 =	sadd.s32 s3, s4;
	s4 =	sand.u32 $0x1FFFFFF0, s5;
	s5 =	spop (v2sf)  }
0x165: {  	[tilespmem:s28], [sflag:$0x4] =	stream.linear.gather [hbm4b:s0+s2], $0x80, $0x38;
	[tilespmem:$0x10200] =	vst v63  }
0x166: {  	s0 =	sadd.s32 s3, s1;
	s1 =	sand.u32 $0x1FFFFFF0, s5;
	s5 =	spop (v2sf)  }
0x167: {  	[tilespmem:s25], [sflag:$0x4] =	stream.linear.gather [hbm4b:s0+s2], $0x80, $0x38;
	[tilespmem:$0x10200] =	vst v63  }
0x168: {  	s0 =	sadd.s32 s3, s4;
	s4 =	sand.u32 $0x1FFFFFF0, s5  }
0x169: {  	[tilespmem:s26], [sflag:$0x4] =	stream.linear.gather [hbm4b:s0+s2], $0x80, $0x38;
	[tilespmem:$0x10200] =	vst v63  }
0x16a: {  	s1 =	sadd.s32 s3, s1;
	s0 =	sadd.s32 $0xC900, s21  }
0x16b: {  	[tilespmem:s0], [sflag:$0x4] =	stream.linear.gather [hbm4b:s1+s2], $0x80, $0x38;
	[tilespmem:$0x10200] =	vst v63  }
0x16c: {  	s0 =	sadd.s32 $0xC980, s21;
	s1 =	sadd.s32 s3, s4  }
0x16d: {  	[tilespmem:s0], [sflag:$0x4] =	stream.linear.gather [hbm4b:s1+s2], $0x80, $0x38;
	[tilespmem:$0x10200] =	vst v63  }
0x16e: {  	v0 =	vld [tilespmem:s22+$0x0];
	_ =	sdelay $0x4  }
0x16f: {  	v0 =	vshll.u32 v0, $0x4  }
0x170: {  	(v2sf) =	vpush v0, $0x0  }
0x171: {  	(v2sf) =	vpush v0, $0x1  }
0x172: {  	(v2sf) =	vpush v0, $0x2;
	_ =	sdelay $0x1  }
0x173: {  	(v2sf) =	vpush v0, $0x4  }
.Ltmp3:
0x174: {  	(pc) =	sbr.rel @p0 .LBB2_8-.Ltmp3, $3  }
0x175: {  	(v2sf) =	vpush v0, $0x3  }
0x176: {  	(v2sf) =	vpush v0, $0x5;
	_ =	sdelay $0x1  }
0x177: {  	s21 =	sshra.s32 s24, $0x2;
	(v2sf) =	vpush v0, $0x6  }
0x178: {  	_ =	sdelay $0x5  }
0x179: {  	s0 =	spop (v2sf)  }
0x17a: {  	s1 =	spop (v2sf)  }
0x17b: {  	s31 =	spop (v2sf)  }
0x17c: {  	s5 =	spop (v2sf);
	(v2sf) =	vpush v0, $0x7  }
0x17d: {  	s0 =	sand.u32 $0x1FFFFFF0, s0  }
0x17e: {  	s4 =	sadd.s32 $0xC200, s21;
	s0 =	sadd.s32 s3, s0  }
0x17f: {  	[tilespmem:s4], [sflag:$0x4] =	stream.linear.gather [hbm4b:s0+s2], $0x80, $0x38;
	[tilespmem:$0x10200] =	vst v63  }
0x180: {  	s1 =	sand.u32 $0x1FFFFFF0, s1;
	s6 =	spop (v2sf);
	(v2sf) =	vpush v0, $0x8  }
0x181: {  	s30 =	sadd.s32 $0xC280, s21;
	s1 =	sadd.s32 s3, s1  }
0x182: {  	[tilespmem:s30], [sflag:$0x4] =	stream.linear.gather [hbm4b:s1+s2], $0x80, $0x38;
	[tilespmem:$0x10200] =	vst v63  }
0x183: {  	s1 =	sand.u32 $0x1FFFFFF0, s31;
	s14 =	spop (v2sf);
	(v2sf) =	vpush v0, $0x9  }
0x184: {  	s4 =	sadd.s32 $0xC300, s21;
	s0 =	sadd.s32 s3, s1  }
0x185: {  	[tilespmem:s4], [sflag:$0x4] =	stream.linear.gather [hbm4b:s0+s2], $0x80, $0x38;
	[tilespmem:$0x10200] =	vst v63  }
0x186: {  	s0 =	sand.u32 $0x1FFFFFF0, s6;
	s18 =	spop (v2sf);
	(v2sf) =	vpush v0, $0xA  }
0x187: {  	s7 =	sadd.s32 $0xC380, s21;
	s8 =	sand.u32 $0x1FFFFFF0, s5;
	s0 =	sadd.s32 s3, s0  }
0x188: {  	[tilespmem:s7], [sflag:$0x4] =	stream.linear.gather [hbm4b:s0+s2], $0x80, $0x38;
	[tilespmem:$0x10200] =	vst v63  }
0x189: {  	s12 =	sadd.s32 $0xC400, s21;
	s0 =	sadd.s32 s3, s8  }
0x18a: {  	[tilespmem:s12], [sflag:$0x4] =	stream.linear.gather [hbm4b:s0+s2], $0x80, $0x38;
	[tilespmem:$0x10200] =	vst v63  }
0x18b: {  	s0 =	sand.u32 $0x1FFFFFF0, s14;
	s23 =	spop (v2sf);
	(v2sf) =	vpush v0, $0xB  }
0x18c: {  	s16 =	sadd.s32 $0xC480, s21;
	s0 =	sadd.s32 s3, s0  }
0x18d: {  	[tilespmem:s16], [sflag:$0x4] =	stream.linear.gather [hbm4b:s0+s2], $0x80, $0x38;
	[tilespmem:$0x10200] =	vst v63  }
0x18e: {  	s0 =	sand.u32 $0x1FFFFFF0, s18  }
0x18f: {  	s22 =	sadd.s32 $0xC500, s21;
	s0 =	sadd.s32 s3, s0;
	s25 =	spop (v2sf);
	(v2sf) =	vpush v0, $0xC  }
0x190: {  	[tilespmem:s22], [sflag:$0x4] =	stream.linear.gather [hbm4b:s0+s2], $0x80, $0x38;
	[tilespmem:$0x10200] =	vst v63  }
0x191: {  	s0 =	sand.u32 $0x1FFFFFF0, s23  }
0x192: {  	s24 =	sadd.s32 $0xC580, s21;
	s0 =	sadd.s32 s3, s0;
	s28 =	spop (v2sf);
	(v2sf) =	vpush v0, $0xD  }
0x193: {  	[tilespmem:s24], [sflag:$0x4] =	stream.linear.gather [hbm4b:s0+s2], $0x80, $0x38;
	[tilespmem:$0x10200] =	vst v63  }
0x194: {  	s0 =	sand.u32 $0x1FFFFFF0, s25  }
0x195: {  	s26 =	sadd.s32 $0xC600, s21;
	s0 =	sadd.s32 s3, s0;
	s30 =	spop (v2sf);
	(v2sf) =	vpush v0, $0xE  }
0x196: {  	[tilespmem:s26], [sflag:$0x4] =	stream.linear.gather [hbm4b:s0+s2], $0x80, $0x38;
	[tilespmem:$0x10200] =	vst v63  }
0x197: {  	s0 =	sand.u32 $0x1FFFFFF0, s28  }
0x198: {  	s29 =	sadd.s32 $0xC680, s21;
	s0 =	sadd.s32 s3, s0  }
0x199: {  	[tilespmem:s29], [sflag:$0x4] =	stream.linear.gather [hbm4b:s0+s2], $0x80, $0x38;
	[tilespmem:$0x10200] =	vst v63  }
0x19a: {  	s0 =	sand.u32 $0x1FFFFFF0, s30;
	s4 =	spop (v2sf);
	(v2sf) =	vpush v0, $0xF  }
0x19b: {  	s31 =	sadd.s32 $0xC700, s21;
	s0 =	sadd.s32 s3, s0  }
0x19c: {  	[tilespmem:s31], [sflag:$0x4] =	stream.linear.gather [hbm4b:s0+s2], $0x80, $0x38;
	[tilespmem:$0x10200] =	vst v63  }
0x19d: {  	s0 =	sand.u32 $0x1FFFFFF0, s4  }
0x19e: {  	s5 =	sadd.s32 $0xC780, s21;
	s0 =	sadd.s32 s3, s0;
	s6 =	spop (v2sf)  }
0x19f: {  	[tilespmem:s5], [sflag:$0x4] =	stream.linear.gather [hbm4b:s0+s2], $0x80, $0x38;
	[tilespmem:$0x10200] =	vst v63  }
0x1a0: {  	s0 =	sand.u32 $0x1FFFFFF0, s6  }
0x1a1: {  	s7 =	sadd.s32 $0xC800, s21;
	s8 =	spop (v2sf);
	s0 =	sadd.s32 s3, s0  }
0x1a2: {  	[tilespmem:s7], [sflag:$0x4] =	stream.linear.gather [hbm4b:s0+s2], $0x80, $0x38;
	[tilespmem:$0x10200] =	vst v63  }
0x1a3: {  	s0 =	sand.u32 $0x1FFFFFF0, s8  }
0x1a4: {  	s12 =	sadd.s32 $0xC880, s21;
	s14 =	spop (v2sf);
	s0 =	sadd.s32 s3, s0  }
0x1a5: {  	[tilespmem:s12], [sflag:$0x4] =	stream.linear.gather [hbm4b:s0+s2], $0x80, $0x38;
	[tilespmem:$0x10200] =	vst v63  }
0x1a6: {  	s0 =	sand.u32 $0x1FFFFFF0, s14  }
0x1a7: {  	s16 =	sadd.s32 $0xC900, s21;
	s0 =	sadd.s32 s3, s0  }
0x1a8: {  	[tilespmem:s16], [sflag:$0x4] =	stream.linear.gather [hbm4b:s0+s2], $0x80, $0x38;
	[tilespmem:$0x10200] =	vst v63  }
0x1a9: {  	s18 =	spop (v2sf)  }
0x1aa: {  	s0 =	sand.u32 $0x1FFFFFF0, s18  }
0x1ab: {  	s22 =	sadd.s32 $0xC980, s21;
	s0 =	sadd.s32 s3, s0  }
0x1ac: {  	[tilespmem:s22], [sflag:$0x4] =	stream.linear.gather [hbm4b:s0+s2], $0x80, $0x38;
	[tilespmem:$0x10200] =	vst v63  }
0x1ad: {  	_ =	swait.ge [sflag:s11], $0x4000  }
0x1ae: {  	[sflag:s11] =	ssyncset.done $0x0  }
0x1af: {  	s24 =	simm.s32 $0x200;
	s23 =	rddreg [dreg:$0x3];
	[sflag:s11] =	ssyncadd.s32 $0xFFFFC000  }
0x1b0: {  	[hbm4b:s23+s2] =	stream.linear.scatter [tilespmem:s24], [sflag:$0x5], $0x4000, $0x38;
	[tilespmem:$0x10200] =	vst v63  }
0x1b1: {  	_ =	swait.ge [sflag:s13], $0x4000  }
0x1b2: {  	[sflag:s13] =	ssyncset.done $0x0  }
0x1b3: {  	s26 =	simm.s32 $0x4200;
	s25 =	rddreg [dreg:$0x4];
	[sflag:s13] =	ssyncadd.s32 $0xFFFFC000  }
0x1b4: {  	[hbm4b:s25+s2] =	stream.linear.scatter [tilespmem:s26], [sflag:$0x5], $0x4000, $0x38;
	[tilespmem:$0x10200] =	vst v63  }
0x1b5: {  	_ =	swait.ge [sflag:s15], $0x4000  }
0x1b6: {  	[sflag:s15] =	ssyncset.done $0x0  }
0x1b7: {  	s29 =	simm.s32 $0x8200;
	s28 =	rddreg [dreg:$0x6];
	[sflag:s15] =	ssyncadd.s32 $0xFFFFC000  }
0x1b8: {  	[hbm4b:s28+s2] =	stream.linear.scatter [tilespmem:s29], [sflag:$0x5], $0x4000, $0x38;
	[tilespmem:$0x10200] =	vst v63  }
0x1b9: {  	_ =	swait.ge [sflag:s17], $0x4000  }
0x1ba: {  	[sflag:s17] =	ssyncset.done $0x0  }
0x1bb: {  	s31 =	simm.s32 $0xC200;
	s30 =	rddreg [dreg:$0x7];
	[sflag:s17] =	ssyncadd.s32 $0xFFFFC000  }
0x1bc: {  	[hbm4b:s30+s2] =	stream.linear.scatter [tilespmem:s31], [sflag:$0x5], $0x4000, $0x38;
	[tilespmem:$0x10200] =	vst v63  }
0x1bd: {  	_ =	swait.ge [sflag:s19], $0x4000  }
0x1be: {  	[sflag:s19] =	ssyncset.done $0x0  }
0x1bf: {  	[sflag:s19] =	ssyncadd.s32 $0xFFFFC000  }
0x1c0: {  	_ =	swait.ge [sflag:s19], $0x4000  }
0x1c1: {  	[sflag:s19] =	ssyncset.done $0x0  }
0x1c2: {  	s20 =	sadd.s32 $0x1, s20;
	[sflag:s19] =	ssyncadd.s32 $0xFFFFC000  }
0x1c3: {  	p0 =	sne.s32 s20, s9;
	_ =	swait.ge [sflag:s19], $0x4000  }
.Ltmp4:
0x1c4: {  	[sflag:s19] =	ssyncset.done $0x0;
	(pc) =	sbr.rel @p0 .LBB2_1-.Ltmp4, $4  }
0x1c5: {  	[sflag:s19] =	ssyncadd.s32 $0xFFFFC000  }
0x1c6: {  	_ =	swait.ge [sflag:s19], $0x4000  }
0x1c7: {  	[sflag:s19] =	ssyncset.done $0x0  }
0x1c8: {  	[sflag:s19] =	ssyncadd.s32 $0xFFFFC000  }
0x1c9: {  	_ =	sfence.sel $0x180000  }
0x1ca: {  	[bflag:$0x0] =	sbarrier.arrive $0xFFFF  }
0x1cb: {  	_ =	strace $0x90000047  }
0x1cc: {  	s0 =	stileid.u32;
	[bflag:$0x2] =	sbarrier.arrive $0xFFFF  }
0x1cd: {  	p0 =	sne.s32 s0, $0x0;
	s0 =	rddreg [dreg:$0x2]  }
0x1ce: {  	s0 =	sadd.s32 @!p0 $0x100000, s0  }
0x1cf: {  	[sflag:s0] =	ssyncadd.tile.s32 @!p0 $0x1;
	_ =	shalt  }
.Lfunc_end2:
_tile_overlayer_lowered:
.L_overlay_start_2:
0x1d0: {  	(tag) =	ssettag $0x2  }
0x1d1: {  	s0 =	rddreg [dreg:$0x0];
	s2 =	stileid.u32  }
0x1d2: {  	s1 =	rddreg [dreg:$0x1];
	p0 =	sne.s32 s2, $0x0  }
0x1d3: {  	s3 =	rddreg [dreg:$0x2];
	[bflag:$0x3] =	sbarrier.arrive $0xFFFF;
	s2 =	simm.s32 @!p0 $0x1C06  }
0x1d4: {  	[timem:s3], [sflag:s2] =	dma.local @!p0 [hbm:s0], s1  }
0x1d5: {  	s0 =	simm.s32 @!p0 $0x6  }
0x1d6: {  	_ =	swait.ge @!p0 [sflag:s0], s1  }
0x1d7: {  	s1 =	ssub.s32 @!p0 $0x0, s1;
	[sflag:s0] =	ssyncset.done @!p0 $0x0  }
0x1d8: {  	[sflag:s0] =	ssyncadd.s32 @!p0 s1  }
0x1d9: {  	[bflag:$0x3] =	sbarrier.arrive $0xFFFF  }
0x1da: {  	_ =	shalt  }

</sc_bundles>
